<compile_context>
chip_gen: v7x
topology: tpu7x:2x2x1
jax: 0.10.2.dev20260603
libtpu: 0.0.44.dev20260713+nightly
codegen_flags: <defaults>
</compile_context>

<pallas_src>
import functools

import jax
import jax.numpy as jnp
from jax import lax
from jax.experimental import pallas as pl
from jax.experimental.pallas import tpu as pltpu
from jax.experimental.pallas import tpu_sc as plsc

N_NODES = 10000
N_GRAPHS = 64
D_AGG = 64

NC = 2
NS = 16
NW = NC * NS
CHUNK = 64
ROWS_A = 624
ROWS_LAST = N_NODES - ROWS_A * (NS - 1)
ACC_ROWS = N_NODES + 16


def _sc_agg(nodes, src3, dst3, zeros_init, k_chunks):
  mesh = plsc.VectorSubcoreMesh(core_axis_name="c", subcore_axis_name="s")

  @functools.partial(
      pl.kernel,
      out_type=jax.ShapeDtypeStruct((NC, N_NODES, D_AGG), jnp.float32),
      mesh=mesh,
      scratch_types=[
          pltpu.VMEM((k_chunks, CHUNK), jnp.int32),
          pltpu.VMEM((k_chunks, CHUNK), jnp.int32),
          pltpu.VMEM((CHUNK, D_AGG), jnp.float32),
          pltpu.VMEM((CHUNK, D_AGG), jnp.float32),
          pltpu.VMEM_SHARED((ACC_ROWS, D_AGG), jnp.float32),
          pltpu.VMEM_SHARED((N_NODES, D_AGG), jnp.float32),
          pltpu.SemaphoreType.DMA,
          pltpu.SemaphoreType.DMA,
      ],
      compiler_params=pltpu.CompilerParams(use_tc_tiling_on_sc=False),
  )
  def body(nodes_hbm, src_hbm, dst_hbm, zero_hbm, out_hbm,
           src_v, dst_v, buf0, buf1, acc, table, sem0, sem1):
    cid = lax.axis_index("c")
    sid = lax.axis_index("s")
    wid = sid * NC + cid
    row0 = sid * ROWS_A
    last = sid == NS - 1

    @pl.when(jnp.logical_not(last))
    def _():
      pltpu.sync_copy(nodes_hbm.at[pl.ds(row0, ROWS_A)],
                      table.at[pl.ds(row0, ROWS_A)])

    @pl.when(last)
    def _():
      pltpu.sync_copy(nodes_hbm.at[pl.ds(row0, ROWS_LAST)],
                      table.at[pl.ds(row0, ROWS_LAST)])

    @pl.when((cid == 0) & jnp.logical_not(last))
    def _():
      pltpu.sync_copy(table.at[pl.ds(row0, ROWS_A)],
                      acc.at[pl.ds(row0, ROWS_A)])

    @pl.when((cid == 0) & last)
    def _():
      pltpu.sync_copy(table.at[pl.ds(row0, ROWS_LAST)],
                      acc.at[pl.ds(row0, ROWS_LAST)])

    @pl.when((cid != 0) & jnp.logical_not(last))
    def _():
      pltpu.sync_copy(zero_hbm.at[pl.ds(0, ROWS_A)],
                      acc.at[pl.ds(row0, ROWS_A)])

    @pl.when((cid != 0) & last)
    def _():
      pltpu.sync_copy(zero_hbm, acc.at[pl.ds(row0, ROWS_LAST)])

    pltpu.sync_copy(src_hbm.at[wid], src_v)
    pltpu.sync_copy(dst_hbm.at[wid], dst_v)
    plsc.subcore_barrier()

    @pl.loop(0, k_chunks)
    def _(j):
      pltpu.sync_copy(table.at[src_v.at[j]], buf0)
      pltpu.sync_copy(buf0, acc.at[dst_v.at[j]], add=True)

    plsc.subcore_barrier()

    @pl.when(jnp.logical_not(last))
    def _():
      pltpu.sync_copy(acc.at[pl.ds(row0, ROWS_A)],
                      out_hbm.at[cid, pl.ds(row0, ROWS_A)])

    @pl.when(last)
    def _():
      pltpu.sync_copy(acc.at[pl.ds(row0, ROWS_LAST)],
                      out_hbm.at[cid, pl.ds(row0, ROWS_LAST)])

  return body(nodes, src3, dst3, zeros_init)


_BM = 2000


def _tc_xw(x, W):
  def body(x_ref, w_ref, o_ref):
    o_ref[...] = jnp.dot(x_ref[...], w_ref[...],
                         preferred_element_type=jnp.float32)
  return pl.pallas_call(
      body,
      grid=(N_NODES // _BM,),
      in_specs=[
          pl.BlockSpec((_BM, x.shape[1]), lambda i: (i, 0)),
          pl.BlockSpec(W.shape, lambda i: (0, 0)),
      ],
      out_specs=pl.BlockSpec((_BM, W.shape[1]), lambda i: (i, 0)),
      out_shape=jax.ShapeDtypeStruct((N_NODES, W.shape[1]), jnp.float32),
  )(x, W)


def _tc_relu_planes(planes, b):
  def body(a_ref, b_ref, o_ref):
    o_ref[...] = jnp.maximum(a_ref[0] + a_ref[1] + b_ref[...], 0.0)
  return pl.pallas_call(
      body,
      grid=(N_NODES // _BM,),
      in_specs=[
          pl.BlockSpec((2, _BM, D_AGG), lambda i: (0, i, 0)),
          pl.BlockSpec((1, D_AGG), lambda i: (0, 0)),
      ],
      out_specs=pl.BlockSpec((_BM, D_AGG), lambda i: (i, 0)),
      out_shape=jax.ShapeDtypeStruct((N_NODES, D_AGG), jnp.float32),
  )(planes, b)


def _tc_mid(planes, W2, b2, W3):
  def body(a_ref, w2_ref, b2_ref, w3_ref, o_ref):
    t = a_ref[0] + a_ref[1]
    h2 = jnp.maximum(jnp.dot(t, w2_ref[...],
                             preferred_element_type=jnp.float32) + b2_ref[...],
                     0.0)
    o_ref[...] = jnp.dot(h2, w3_ref[...], preferred_element_type=jnp.float32)
  return pl.pallas_call(
      body,
      grid=(N_NODES // _BM,),
      in_specs=[
          pl.BlockSpec((2, _BM, D_AGG), lambda i: (0, i, 0)),
          pl.BlockSpec(W2.shape, lambda i: (0, 0)),
          pl.BlockSpec((1, W2.shape[1]), lambda i: (0, 0)),
          pl.BlockSpec(W3.shape, lambda i: (0, 0)),
      ],
      out_specs=pl.BlockSpec((_BM, W3.shape[1]), lambda i: (i, 0)),
      out_shape=jax.ShapeDtypeStruct((N_NODES, W3.shape[1]), jnp.float32),
  )(planes, W2, b2, W3)


_BM_POOL = 1000


def _tc_final(planes, b3, batch3, Wfc, bfc):
  n_blocks = N_NODES // _BM_POOL

  def body(a_ref, b3_ref, batch_ref, wfc_ref, bfc_ref, o_ref, acc, cnt):
    j = pl.program_id(0)

    @pl.when(j == 0)
    def _():
      acc[...] = jnp.zeros_like(acc)
      cnt[...] = jnp.zeros_like(cnt)

    h3 = jnp.maximum(a_ref[0] + a_ref[1] + b3_ref[...], 0.0)
    ids = batch_ref[0]
    ohT = (lax.broadcasted_iota(jnp.int32, (N_GRAPHS, _BM_POOL), 0)
           == ids).astype(jnp.float32)
    acc[...] += jnp.dot(ohT, h3, preferred_element_type=jnp.float32)
    cnt[...] += jnp.sum(ohT, axis=1, keepdims=True)

    @pl.when(j == n_blocks - 1)
    def _():
      pooled = acc[...] / jnp.maximum(cnt[...], 1.0)
      o_ref[...] = jnp.dot(pooled, wfc_ref[...],
                           preferred_element_type=jnp.float32) + bfc_ref[...]

  return pl.pallas_call(
      body,
      grid=(n_blocks,),
      in_specs=[
          pl.BlockSpec((2, _BM_POOL, D_AGG), lambda i: (0, i, 0)),
          pl.BlockSpec((1, D_AGG), lambda i: (0, 0)),
          pl.BlockSpec((1, 1, _BM_POOL), lambda i: (i, 0, 0)),
          pl.BlockSpec(Wfc.shape, lambda i: (0, 0)),
          pl.BlockSpec((1, Wfc.shape[1]), lambda i: (0, 0)),
      ],
      out_specs=pl.BlockSpec((N_GRAPHS, Wfc.shape[1]), lambda i: (0, 0)),
      out_shape=jax.ShapeDtypeStruct((N_GRAPHS, Wfc.shape[1]), jnp.float32),
      scratch_shapes=[
          pltpu.VMEM((N_GRAPHS, N_GRAPHS), jnp.float32),
          pltpu.VMEM((N_GRAPHS, 1), jnp.float32),
      ],
  )(planes, b3, batch3, Wfc, bfc)


def kernel(x, edge_index, batch, W1, b1, W2, b2, W3, b3, Wfc, bfc):
  n_edges = edge_index.shape[1]
  per_tile = -(-n_edges // (NW * CHUNK)) * CHUNK
  k_chunks = per_tile // CHUNK
  pad = NW * per_tile - n_edges

  src = edge_index[0].astype(jnp.int32)
  dst = edge_index[1].astype(jnp.int32)
  src3 = jnp.concatenate([src, jnp.zeros((pad,), jnp.int32)]
                         ).reshape(NW, k_chunks, CHUNK)
  dst3 = jnp.concatenate([dst, jnp.full((pad,), N_NODES, jnp.int32)]
                         ).reshape(NW, k_chunks, CHUNK)
  zeros_init = jnp.zeros((ROWS_LAST, D_AGG), jnp.float32)
  batch3 = batch.astype(jnp.int32).reshape(N_NODES // _BM_POOL, 1, _BM_POOL)

  b1r = b1.reshape(1, -1)
  b2r = b2.reshape(1, -1)
  b3r = b3.reshape(1, -1)
  bfcr = bfc.reshape(1, -1)

  y1 = _tc_xw(x, W1)
  p1 = _sc_agg(y1, src3, dst3, zeros_init, k_chunks)
  h1 = _tc_relu_planes(p1, b1r)
  p2 = _sc_agg(h1, src3, dst3, zeros_init, k_chunks)
  y3 = _tc_mid(p2, W2, b2r, W3)
  p3 = _sc_agg(y3, src3, dst3, zeros_init, k_chunks)
  return _tc_final(p3, b3r, batch3, Wfc, bfcr)

# --- scband reference (transcript-rebuilt; emitter-appended) ---
"""Pipeline reference for scband-ginpeptide-struct-20461224198769 (READ-ONLY COPY).

The authoritative reference and input builder live on the scoring server;
editing this copy changes nothing except your own understanding.
"""

import jax, jax.numpy as jnp
import numpy as np

N_NODES = 10000
N_EDGES = 320000
D_FEAT = 128
N_GRAPHS = 64
N_CLASSES = 10


def setup_inputs(seed: int = 0) -> dict:
    key = jax.random.key(seed)
    ks = jax.random.split(key, 12)
    x = jax.random.normal(ks[0], (N_NODES, D_FEAT), dtype=jnp.float32)
    edge_index = jax.random.randint(ks[1], (2, N_EDGES), 0, N_NODES, dtype=jnp.int64)
    batch = jnp.sort(jax.random.randint(ks[2], (N_NODES,), 0, N_GRAPHS, dtype=jnp.int64))
    # learned parameters (Linear layers: conv1 128->64, conv2 64->128, conv3 128->64, fc 64->10)
    def lin_init(k, fan_in, fan_out):
        bound = 1.0 / np.sqrt(fan_in)
        kw, kb = jax.random.split(k)
        W = jax.random.uniform(kw, (fan_in, fan_out), minval=-bound, maxval=bound, dtype=jnp.float32)
        b = jax.random.uniform(kb, (fan_out,), minval=-bound, maxval=bound, dtype=jnp.float32)
        return W, b
    W1, b1 = lin_init(ks[3], D_FEAT, 64)
    W2, b2 = lin_init(ks[4], 64, 128)
    W3, b3 = lin_init(ks[5], 128, 64)
    Wfc, bfc = lin_init(ks[6], 64, N_CLASSES)
    return {"x": x, "edge_index": edge_index, "batch": batch,
            "W1": W1, "b1": b1, "W2": W2, "b2": b2,
            "W3": W3, "b3": b3, "Wfc": Wfc, "bfc": bfc}


def _gin_conv(x, edge_index, W, b, eps=0.0):
    # GINConv: nn((1 + eps) * x + sum_{j in N(i)} x_j)
    src = edge_index[0]
    dst = edge_index[1]
    agg = jax.ops.segment_sum(jnp.take(x, src, axis=0), dst, num_segments=x.shape[0])
    h = (1.0 + eps) * x + agg
    return h @ W + b


def reference(x, edge_index, batch, W1, b1, W2, b2, W3, b3, Wfc, bfc):
    h = jax.nn.relu(_gin_conv(x, edge_index, W1, b1))
    # dropout is identity in eval mode
    h = jax.nn.relu(_gin_conv(h, edge_index, W2, b2))
    h = jax.nn.relu(_gin_conv(h, edge_index, W3, b3))
    # global_mean_pool
    sums = jax.ops.segment_sum(h, batch, num_segments=N_GRAPHS)
    counts = jax.ops.segment_sum(jnp.ones((h.shape[0],), dtype=h.dtype), batch, num_segments=N_GRAPHS)
    pooled = sums / jnp.clip(counts, 1.0)[:, None]
    return pooled @ Wfc + bfc

if __name__ == "__main__":
    import jax
    _d = setup_inputs()
    print(jax.jit(kernel)(*tuple(_d.values())))

</pallas_src>

<mosaic_0001>
#map = affine_map<(d0, d1) -> (0, 0)>
#map1 = affine_map<(d0, d1) -> (0, 0, 0)>
module attributes {stable_mosaic.version = 14 : i64} {
  func.func @body(%arg0: i32, %arg1: i32, %arg2: memref<10000x64xf32, #tpu.memory_space<hbm>>, %arg3: memref<32x157x64xi32, #tpu.memory_space<hbm>>, %arg4: memref<32x157x64xi32, #tpu.memory_space<hbm>>, %arg5: memref<640x64xf32, #tpu.memory_space<hbm>>, %arg6: memref<2x10000x64xf32, #tpu.memory_space<hbm>>, %arg7: memref<157x64xi32, #tpu.memory_space<vmem>>, %arg8: memref<157x64xi32, #tpu.memory_space<vmem>>, %arg9: memref<64x64xf32, #tpu.memory_space<vmem>>, %arg10: memref<64x64xf32, #tpu.memory_space<vmem>>, %arg11: memref<10016x64xf32, #tpu.memory_space<vmem_shared>>, %arg12: memref<10000x64xf32, #tpu.memory_space<vmem_shared>>, %arg13: memref<!tpu.dma_semaphore, #tpu.memory_space<semaphore_mem>>, %arg14: memref<!tpu.dma_semaphore, #tpu.memory_space<semaphore_mem>>) attributes {dimension_semantics = [#tpu.dimension_semantics<core_parallel>, #tpu.dimension_semantics<subcore_parallel>], iteration_bounds = array<i64: 2, 16>, scalar_prefetch = 0 : i64, scratch_operands = 8 : i64, tpu.core_type = #tpu.core_type<sc_vector_subcore>, window_params = [{transform_indices = #map}, {transform_indices = #map1}, {transform_indices = #map1}, {transform_indices = #map}, {transform_indices = #map1}]} {
    %mul3A = arith.constant 2 : i32
    %mul3A_0 = arith.muli %arg1, %mul3A : i32
    %add3A = arith.addi %mul3A_0, %arg0 : i32
    %mul3A_1 = arith.constant 624 : i32
    %mul3A_2 = arith.muli %arg1, %mul3A_1 : i32
    %eq3A = arith.constant 15 : i32
    %eq3A_3 = arith.cmpi eq, %arg1, %eq3A : i32
    %not3A = arith.constant true
    %not3A_4 = arith.xori %eq3A_3, %not3A : i1
    %convert_element_type3A = arith.extui %not3A_4 : i1 to i32
    %cond3A = arith.constant 0 : i32
    %cond3A_5 = arith.cmpi ne, %convert_element_type3A, %cond3A : i32
    scf.if %cond3A_5 {
      "tpu.region"() ({
        %run_scoped3A = tpu.sem_alloc : memref<!tpu.dma_semaphore, #tpu.memory_space<semaphore_mem>>
        %dma_start3A = arith.constant 0 : i32
        %dma_start3A_48 = tpu.memref_slice %arg12[%mul3A_2, %dma_start3A] : memref<10000x64xf32, #tpu.memory_space<vmem_shared>> -> memref<624x64xf32, #tpu.memory_space<vmem_shared>>
        %dma_start3A_49 = arith.constant 0 : i32
        %dma_start3A_50 = tpu.memref_slice %arg2[%mul3A_2, %dma_start3A_49] : memref<10000x64xf32, #tpu.memory_space<hbm>> -> memref<624x64xf32, #tpu.memory_space<hbm>>
        tpu.enqueue_dma source(%dma_start3A_50 : memref<624x64xf32, #tpu.memory_space<hbm>>) target(%dma_start3A_48 : memref<624x64xf32, #tpu.memory_space<vmem_shared>>) target_semaphore(%run_scoped3A : memref<!tpu.dma_semaphore, #tpu.memory_space<semaphore_mem>>)
        %dma_wait3A = arith.constant 0 : i32
        %dma_wait3A_51 = tpu.memref_slice %arg12[%mul3A_2, %dma_wait3A] : memref<10000x64xf32, #tpu.memory_space<vmem_shared>> -> memref<624x64xf32, #tpu.memory_space<vmem_shared>>
        %dma_wait3A_52 = arith.constant 0 : i32
        %dma_wait3A_53 = tpu.memref_slice %arg2[%mul3A_2, %dma_wait3A_52] : memref<10000x64xf32, #tpu.memory_space<hbm>> -> memref<624x64xf32, #tpu.memory_space<hbm>>
        tpu.wait_dma2 semaphore(%run_scoped3A : memref<!tpu.dma_semaphore, #tpu.memory_space<semaphore_mem>>) src(%dma_wait3A_53 : memref<624x64xf32, #tpu.memory_space<hbm>>) dst(%dma_wait3A_51 : memref<624x64xf32, #tpu.memory_space<vmem_shared>>)
        tpu.yield
      }) : () -> ()
    } else {
    }
    %convert_element_type3A_6 = arith.extui %eq3A_3 : i1 to i32
    %cond3A_7 = arith.constant 0 : i32
    %cond3A_8 = arith.cmpi ne, %convert_element_type3A_6, %cond3A_7 : i32
    scf.if %cond3A_8 {
      "tpu.region"() ({
        %run_scoped3A = tpu.sem_alloc : memref<!tpu.dma_semaphore, #tpu.memory_space<semaphore_mem>>
        %dma_start3A = arith.constant 0 : i32
        %dma_start3A_48 = tpu.memref_slice %arg12[%mul3A_2, %dma_start3A] : memref<10000x64xf32, #tpu.memory_space<vmem_shared>> -> memref<640x64xf32, #tpu.memory_space<vmem_shared>>
        %dma_start3A_49 = arith.constant 0 : i32
        %dma_start3A_50 = tpu.memref_slice %arg2[%mul3A_2, %dma_start3A_49] : memref<10000x64xf32, #tpu.memory_space<hbm>> -> memref<640x64xf32, #tpu.memory_space<hbm>>
        tpu.enqueue_dma source(%dma_start3A_50 : memref<640x64xf32, #tpu.memory_space<hbm>>) target(%dma_start3A_48 : memref<640x64xf32, #tpu.memory_space<vmem_shared>>) target_semaphore(%run_scoped3A : memref<!tpu.dma_semaphore, #tpu.memory_space<semaphore_mem>>)
        %dma_wait3A = arith.constant 0 : i32
        %dma_wait3A_51 = tpu.memref_slice %arg12[%mul3A_2, %dma_wait3A] : memref<10000x64xf32, #tpu.memory_space<vmem_shared>> -> memref<640x64xf32, #tpu.memory_space<vmem_shared>>
        %dma_wait3A_52 = arith.constant 0 : i32
        %dma_wait3A_53 = tpu.memref_slice %arg2[%mul3A_2, %dma_wait3A_52] : memref<10000x64xf32, #tpu.memory_space<hbm>> -> memref<640x64xf32, #tpu.memory_space<hbm>>
        tpu.wait_dma2 semaphore(%run_scoped3A : memref<!tpu.dma_semaphore, #tpu.memory_space<semaphore_mem>>) src(%dma_wait3A_53 : memref<640x64xf32, #tpu.memory_space<hbm>>) dst(%dma_wait3A_51 : memref<640x64xf32, #tpu.memory_space<vmem_shared>>)
        tpu.yield
      }) : () -> ()
    } else {
    }
    %eq3A_9 = arith.constant 0 : i32
    %eq3A_10 = arith.cmpi eq, %arg0, %eq3A_9 : i32
    %not3A_11 = arith.constant true
    %not3A_12 = arith.xori %eq3A_3, %not3A_11 : i1
    %and3A = arith.andi %eq3A_10, %not3A_12 : i1
    %convert_element_type3A_13 = arith.extui %and3A : i1 to i32
    %cond3A_14 = arith.constant 0 : i32
    %cond3A_15 = arith.cmpi ne, %convert_element_type3A_13, %cond3A_14 : i32
    scf.if %cond3A_15 {
      "tpu.region"() ({
        %run_scoped3A = tpu.sem_alloc : memref<!tpu.dma_semaphore, #tpu.memory_space<semaphore_mem>>
        %dma_start3A = arith.constant 0 : i32
        %dma_start3A_48 = tpu.memref_slice %arg11[%mul3A_2, %dma_start3A] : memref<10016x64xf32, #tpu.memory_space<vmem_shared>> -> memref<624x64xf32, #tpu.memory_space<vmem_shared>>
        %dma_start3A_49 = arith.constant 0 : i32
        %dma_start3A_50 = tpu.memref_slice %arg12[%mul3A_2, %dma_start3A_49] : memref<10000x64xf32, #tpu.memory_space<vmem_shared>> -> memref<624x64xf32, #tpu.memory_space<vmem_shared>>
        tpu.enqueue_dma source(%dma_start3A_50 : memref<624x64xf32, #tpu.memory_space<vmem_shared>>) target(%dma_start3A_48 : memref<624x64xf32, #tpu.memory_space<vmem_shared>>) target_semaphore(%run_scoped3A : memref<!tpu.dma_semaphore, #tpu.memory_space<semaphore_mem>>)
        %dma_wait3A = arith.constant 0 : i32
        %dma_wait3A_51 = tpu.memref_slice %arg11[%mul3A_2, %dma_wait3A] : memref<10016x64xf32, #tpu.memory_space<vmem_shared>> -> memref<624x64xf32, #tpu.memory_space<vmem_shared>>
        %dma_wait3A_52 = arith.constant 0 : i32
        %dma_wait3A_53 = tpu.memref_slice %arg12[%mul3A_2, %dma_wait3A_52] : memref<10000x64xf32, #tpu.memory_space<vmem_shared>> -> memref<624x64xf32, #tpu.memory_space<vmem_shared>>
        tpu.wait_dma2 semaphore(%run_scoped3A : memref<!tpu.dma_semaphore, #tpu.memory_space<semaphore_mem>>) src(%dma_wait3A_53 : memref<624x64xf32, #tpu.memory_space<vmem_shared>>) dst(%dma_wait3A_51 : memref<624x64xf32, #tpu.memory_space<vmem_shared>>)
        tpu.yield
      }) : () -> ()
    } else {
    }
    %eq3A_16 = arith.constant 0 : i32
    %eq3A_17 = arith.cmpi eq, %arg0, %eq3A_16 : i32
    %and3A_18 = arith.andi %eq3A_17, %eq3A_3 : i1
    %convert_element_type3A_19 = arith.extui %and3A_18 : i1 to i32
    %cond3A_20 = arith.constant 0 : i32
    %cond3A_21 = arith.cmpi ne, %convert_element_type3A_19, %cond3A_20 : i32
    scf.if %cond3A_21 {
      "tpu.region"() ({
        %run_scoped3A = tpu.sem_alloc : memref<!tpu.dma_semaphore, #tpu.memory_space<semaphore_mem>>
        %dma_start3A = arith.constant 0 : i32
        %dma_start3A_48 = tpu.memref_slice %arg11[%mul3A_2, %dma_start3A] : memref<10016x64xf32, #tpu.memory_space<vmem_shared>> -> memref<640x64xf32, #tpu.memory_space<vmem_shared>>
        %dma_start3A_49 = arith.constant 0 : i32
        %dma_start3A_50 = tpu.memref_slice %arg12[%mul3A_2, %dma_start3A_49] : memref<10000x64xf32, #tpu.memory_space<vmem_shared>> -> memref<640x64xf32, #tpu.memory_space<vmem_shared>>
        tpu.enqueue_dma source(%dma_start3A_50 : memref<640x64xf32, #tpu.memory_space<vmem_shared>>) target(%dma_start3A_48 : memref<640x64xf32, #tpu.memory_space<vmem_shared>>) target_semaphore(%run_scoped3A : memref<!tpu.dma_semaphore, #tpu.memory_space<semaphore_mem>>)
        %dma_wait3A = arith.constant 0 : i32
        %dma_wait3A_51 = tpu.memref_slice %arg11[%mul3A_2, %dma_wait3A] : memref<10016x64xf32, #tpu.memory_space<vmem_shared>> -> memref<640x64xf32, #tpu.memory_space<vmem_shared>>
        %dma_wait3A_52 = arith.constant 0 : i32
        %dma_wait3A_53 = tpu.memref_slice %arg12[%mul3A_2, %dma_wait3A_52] : memref<10000x64xf32, #tpu.memory_space<vmem_shared>> -> memref<640x64xf32, #tpu.memory_space<vmem_shared>>
        tpu.wait_dma2 semaphore(%run_scoped3A : memref<!tpu.dma_semaphore, #tpu.memory_space<semaphore_mem>>) src(%dma_wait3A_53 : memref<640x64xf32, #tpu.memory_space<vmem_shared>>) dst(%dma_wait3A_51 : memref<640x64xf32, #tpu.memory_space<vmem_shared>>)
        tpu.yield
      }) : () -> ()
    } else {
    }
    %ne3A = arith.constant 0 : i32
    %ne3A_22 = arith.cmpi ne, %arg0, %ne3A : i32
    %not3A_23 = arith.constant true
    %not3A_24 = arith.xori %eq3A_3, %not3A_23 : i1
    %and3A_25 = arith.andi %ne3A_22, %not3A_24 : i1
    %convert_element_type3A_26 = arith.extui %and3A_25 : i1 to i32
    %cond3A_27 = arith.constant 0 : i32
    %cond3A_28 = arith.cmpi ne, %convert_element_type3A_26, %cond3A_27 : i32
    scf.if %cond3A_28 {
      "tpu.region"() ({
        %run_scoped3A = tpu.sem_alloc : memref<!tpu.dma_semaphore, #tpu.memory_space<semaphore_mem>>
        %dma_start3A = arith.constant 0 : i32
        %dma_start3A_48 = tpu.memref_slice %arg11[%mul3A_2, %dma_start3A] : memref<10016x64xf32, #tpu.memory_space<vmem_shared>> -> memref<624x64xf32, #tpu.memory_space<vmem_shared>>
        %dma_start3A_49 = arith.constant 0 : i32
        %dma_start3A_50 = arith.constant 0 : i32
        %dma_start3A_51 = tpu.memref_slice %arg5[%dma_start3A_49, %dma_start3A_50] : memref<640x64xf32, #tpu.memory_space<hbm>> -> memref<624x64xf32, #tpu.memory_space<hbm>>
        tpu.enqueue_dma source(%dma_start3A_51 : memref<624x64xf32, #tpu.memory_space<hbm>>) target(%dma_start3A_48 : memref<624x64xf32, #tpu.memory_space<vmem_shared>>) target_semaphore(%run_scoped3A : memref<!tpu.dma_semaphore, #tpu.memory_space<semaphore_mem>>)
        %dma_wait3A = arith.constant 0 : i32
        %dma_wait3A_52 = tpu.memref_slice %arg11[%mul3A_2, %dma_wait3A] : memref<10016x64xf32, #tpu.memory_space<vmem_shared>> -> memref<624x64xf32, #tpu.memory_space<vmem_shared>>
        %dma_wait3A_53 = arith.constant 0 : i32
        %dma_wait3A_54 = arith.constant 0 : i32
        %dma_wait3A_55 = tpu.memref_slice %arg5[%dma_wait3A_53, %dma_wait3A_54] : memref<640x64xf32, #tpu.memory_space<hbm>> -> memref<624x64xf32, #tpu.memory_space<hbm>>
        tpu.wait_dma2 semaphore(%run_scoped3A : memref<!tpu.dma_semaphore, #tpu.memory_space<semaphore_mem>>) src(%dma_wait3A_55 : memref<624x64xf32, #tpu.memory_space<hbm>>) dst(%dma_wait3A_52 : memref<624x64xf32, #tpu.memory_space<vmem_shared>>)
        tpu.yield
      }) : () -> ()
    } else {
    }
    %ne3A_29 = arith.constant 0 : i32
    %ne3A_30 = arith.cmpi ne, %arg0, %ne3A_29 : i32
    %and3A_31 = arith.andi %ne3A_30, %eq3A_3 : i1
    %convert_element_type3A_32 = arith.extui %and3A_31 : i1 to i32
    %cond3A_33 = arith.constant 0 : i32
    %cond3A_34 = arith.cmpi ne, %convert_element_type3A_32, %cond3A_33 : i32
    scf.if %cond3A_34 {
      "tpu.region"() ({
        %run_scoped3A = tpu.sem_alloc : memref<!tpu.dma_semaphore, #tpu.memory_space<semaphore_mem>>
        %dma_start3A = arith.constant 0 : i32
        %dma_start3A_48 = tpu.memref_slice %arg11[%mul3A_2, %dma_start3A] : memref<10016x64xf32, #tpu.memory_space<vmem_shared>> -> memref<640x64xf32, #tpu.memory_space<vmem_shared>>
        tpu.enqueue_dma source(%arg5 : memref<640x64xf32, #tpu.memory_space<hbm>>) target(%dma_start3A_48 : memref<640x64xf32, #tpu.memory_space<vmem_shared>>) target_semaphore(%run_scoped3A : memref<!tpu.dma_semaphore, #tpu.memory_space<semaphore_mem>>)
        %dma_wait3A = arith.constant 0 : i32
        %dma_wait3A_49 = tpu.memref_slice %arg11[%mul3A_2, %dma_wait3A] : memref<10016x64xf32, #tpu.memory_space<vmem_shared>> -> memref<640x64xf32, #tpu.memory_space<vmem_shared>>
        tpu.wait_dma2 semaphore(%run_scoped3A : memref<!tpu.dma_semaphore, #tpu.memory_space<semaphore_mem>>) src(%arg5 : memref<640x64xf32, #tpu.memory_space<hbm>>) dst(%dma_wait3A_49 : memref<640x64xf32, #tpu.memory_space<vmem_shared>>)
        tpu.yield
      }) : () -> ()
    } else {
    }
    "tpu.region"() ({
      %run_scoped3A = tpu.sem_alloc : memref<!tpu.dma_semaphore, #tpu.memory_space<semaphore_mem>>
      %dma_start3A = arith.constant 0 : i32
      %dma_start3A_48 = arith.constant 0 : i32
      %dma_start3A_49 = tpu.memref_slice %arg3[%add3A, %dma_start3A, %dma_start3A_48] : memref<32x157x64xi32, #tpu.memory_space<hbm>> -> memref<1x157x64xi32, #tpu.memory_space<hbm>>
      %dma_start3A_50 = tpu.memref_squeeze %dma_start3A_49 : memref<1x157x64xi32, #tpu.memory_space<hbm>> -> memref<157x64xi32, #tpu.memory_space<hbm>>
      %dma_start3A_51 = arith.constant 0 : i32
      %dma_start3A_52 = arith.constant 0 : i32
      %dma_start3A_53 = tpu.memref_slice %arg3[%add3A, %dma_start3A_51, %dma_start3A_52] : memref<32x157x64xi32, #tpu.memory_space<hbm>> -> memref<1x157x64xi32, #tpu.memory_space<hbm>>
      %dma_start3A_54 = tpu.memref_squeeze %dma_start3A_53 : memref<1x157x64xi32, #tpu.memory_space<hbm>> -> memref<157x64xi32, #tpu.memory_space<hbm>>
      tpu.enqueue_dma source(%dma_start3A_54 : memref<157x64xi32, #tpu.memory_space<hbm>>) target(%arg7 : memref<157x64xi32, #tpu.memory_space<vmem>>) target_semaphore(%run_scoped3A : memref<!tpu.dma_semaphore, #tpu.memory_space<semaphore_mem>>)
      %dma_wait3A = arith.constant 0 : i32
      %dma_wait3A_55 = arith.constant 0 : i32
      %dma_wait3A_56 = tpu.memref_slice %arg3[%add3A, %dma_wait3A, %dma_wait3A_55] : memref<32x157x64xi32, #tpu.memory_space<hbm>> -> memref<1x157x64xi32, #tpu.memory_space<hbm>>
      %dma_wait3A_57 = tpu.memref_squeeze %dma_wait3A_56 : memref<1x157x64xi32, #tpu.memory_space<hbm>> -> memref<157x64xi32, #tpu.memory_space<hbm>>
      %dma_wait3A_58 = arith.constant 0 : i32
      %dma_wait3A_59 = arith.constant 0 : i32
      %dma_wait3A_60 = tpu.memref_slice %arg3[%add3A, %dma_wait3A_58, %dma_wait3A_59] : memref<32x157x64xi32, #tpu.memory_space<hbm>> -> memref<1x157x64xi32, #tpu.memory_space<hbm>>
      %dma_wait3A_61 = tpu.memref_squeeze %dma_wait3A_60 : memref<1x157x64xi32, #tpu.memory_space<hbm>> -> memref<157x64xi32, #tpu.memory_space<hbm>>
      tpu.wait_dma2 semaphore(%run_scoped3A : memref<!tpu.dma_semaphore, #tpu.memory_space<semaphore_mem>>) src(%dma_wait3A_61 : memref<157x64xi32, #tpu.memory_space<hbm>>) dst(%arg7 : memref<157x64xi32, #tpu.memory_space<vmem>>)
      tpu.yield
    }) : () -> ()
    "tpu.region"() ({
      %run_scoped3A = tpu.sem_alloc : memref<!tpu.dma_semaphore, #tpu.memory_space<semaphore_mem>>
      %dma_start3A = arith.constant 0 : i32
      %dma_start3A_48 = arith.constant 0 : i32
      %dma_start3A_49 = tpu.memref_slice %arg4[%add3A, %dma_start3A, %dma_start3A_48] : memref<32x157x64xi32, #tpu.memory_space<hbm>> -> memref<1x157x64xi32, #tpu.memory_space<hbm>>
      %dma_start3A_50 = tpu.memref_squeeze %dma_start3A_49 : memref<1x157x64xi32, #tpu.memory_space<hbm>> -> memref<157x64xi32, #tpu.memory_space<hbm>>
      %dma_start3A_51 = arith.constant 0 : i32
      %dma_start3A_52 = arith.constant 0 : i32
      %dma_start3A_53 = tpu.memref_slice %arg4[%add3A, %dma_start3A_51, %dma_start3A_52] : memref<32x157x64xi32, #tpu.memory_space<hbm>> -> memref<1x157x64xi32, #tpu.memory_space<hbm>>
      %dma_start3A_54 = tpu.memref_squeeze %dma_start3A_53 : memref<1x157x64xi32, #tpu.memory_space<hbm>> -> memref<157x64xi32, #tpu.memory_space<hbm>>
      tpu.enqueue_dma source(%dma_start3A_54 : memref<157x64xi32, #tpu.memory_space<hbm>>) target(%arg8 : memref<157x64xi32, #tpu.memory_space<vmem>>) target_semaphore(%run_scoped3A : memref<!tpu.dma_semaphore, #tpu.memory_space<semaphore_mem>>)
      %dma_wait3A = arith.constant 0 : i32
      %dma_wait3A_55 = arith.constant 0 : i32
      %dma_wait3A_56 = tpu.memref_slice %arg4[%add3A, %dma_wait3A, %dma_wait3A_55] : memref<32x157x64xi32, #tpu.memory_space<hbm>> -> memref<1x157x64xi32, #tpu.memory_space<hbm>>
      %dma_wait3A_57 = tpu.memref_squeeze %dma_wait3A_56 : memref<1x157x64xi32, #tpu.memory_space<hbm>> -> memref<157x64xi32, #tpu.memory_space<hbm>>
      %dma_wait3A_58 = arith.constant 0 : i32
      %dma_wait3A_59 = arith.constant 0 : i32
      %dma_wait3A_60 = tpu.memref_slice %arg4[%add3A, %dma_wait3A_58, %dma_wait3A_59] : memref<32x157x64xi32, #tpu.memory_space<hbm>> -> memref<1x157x64xi32, #tpu.memory_space<hbm>>
      %dma_wait3A_61 = tpu.memref_squeeze %dma_wait3A_60 : memref<1x157x64xi32, #tpu.memory_space<hbm>> -> memref<157x64xi32, #tpu.memory_space<hbm>>
      tpu.wait_dma2 semaphore(%run_scoped3A : memref<!tpu.dma_semaphore, #tpu.memory_space<semaphore_mem>>) src(%dma_wait3A_61 : memref<157x64xi32, #tpu.memory_space<hbm>>) dst(%arg8 : memref<157x64xi32, #tpu.memory_space<vmem>>)
      tpu.yield
    }) : () -> ()
    %barrier3A = arith.constant 0 : index
    tpu.barrier barrier_id(%barrier3A)
    %scan3A = arith.constant 0 : i32
    %scan3A_35 = arith.constant 157 : i32
    %scan3A_36 = arith.addi %scan3A, %scan3A_35 : i32
    %scan3A_37 = arith.constant 1 : i32
    scf.for %scan3A_48 = %scan3A to %scan3A_36 step %scan3A_37  : i32 {
      %mul3A_49 = arith.constant 1 : i32
      %mul3A_50 = arith.muli %scan3A_48, %mul3A_49 : i32
      %add3A_51 = arith.constant 0 : i32
      %add3A_52 = arith.addi %add3A_51, %mul3A_50 : i32
      "tpu.region"() ({
        %run_scoped3A = tpu.sem_alloc : memref<!tpu.dma_semaphore, #tpu.memory_space<semaphore_mem>>
        %dma_start3A = arith.constant 0 : i32
        %dma_start3A_53 = tpu.memref_slice %arg7[%add3A_52, %dma_start3A] : memref<157x64xi32, #tpu.memory_space<vmem>> -> memref<1x64xi32, #tpu.memory_space<vmem>>
        %dma_start3A_54 = tpu.memref_squeeze %dma_start3A_53 : memref<1x64xi32, #tpu.memory_space<vmem>> -> memref<64xi32, #tpu.memory_space<vmem>>
        %dma_start3A_55 = arith.constant 0 : i32
        %dma_start3A_56 = arith.constant 0 : i32
        %dma_start3A_57 = tpu.memref_slice %arg12[%dma_start3A_55, %dma_start3A_56] : memref<10000x64xf32, #tpu.memory_space<vmem_shared>> -> memref<10000x64xf32, #tpu.memory_space<vmem_shared>>
        tpu.enqueue_indirect_dma source(%dma_start3A_57 : memref<10000x64xf32, #tpu.memory_space<vmem_shared>>) target(%arg9 : memref<64x64xf32, #tpu.memory_space<vmem>>) offsets(%dma_start3A_54 : memref<64xi32, #tpu.memory_space<vmem>>) semaphore(%run_scoped3A : memref<!tpu.dma_semaphore, #tpu.memory_space<semaphore_mem>>)
        %dma_wait3A = arith.constant 0 : i32
        %dma_wait3A_58 = tpu.memref_slice %arg7[%add3A_52, %dma_wait3A] : memref<157x64xi32, #tpu.memory_space<vmem>> -> memref<1x64xi32, #tpu.memory_space<vmem>>
        %dma_wait3A_59 = tpu.memref_squeeze %dma_wait3A_58 : memref<1x64xi32, #tpu.memory_space<vmem>> -> memref<64xi32, #tpu.memory_space<vmem>>
        %dma_wait3A_60 = arith.constant 0 : i32
        %dma_wait3A_61 = arith.constant 0 : i32
        %dma_wait3A_62 = tpu.memref_slice %arg12[%dma_wait3A_60, %dma_wait3A_61] : memref<10000x64xf32, #tpu.memory_space<vmem_shared>> -> memref<10000x64xf32, #tpu.memory_space<vmem_shared>>
        tpu.wait_indirect_dma semaphore(%run_scoped3A : memref<!tpu.dma_semaphore, #tpu.memory_space<semaphore_mem>>) src(%dma_wait3A_62 : memref<10000x64xf32, #tpu.memory_space<vmem_shared>>) dst(%arg9 : memref<64x64xf32, #tpu.memory_space<vmem>>)
        tpu.yield
      }) : () -> ()
      "tpu.region"() ({
        %run_scoped3A = tpu.sem_alloc : memref<!tpu.dma_semaphore, #tpu.memory_space<semaphore_mem>>
        %dma_start3A = arith.constant 0 : i32
        %dma_start3A_53 = tpu.memref_slice %arg8[%add3A_52, %dma_start3A] : memref<157x64xi32, #tpu.memory_space<vmem>> -> memref<1x64xi32, #tpu.memory_space<vmem>>
        %dma_start3A_54 = tpu.memref_squeeze %dma_start3A_53 : memref<1x64xi32, #tpu.memory_space<vmem>> -> memref<64xi32, #tpu.memory_space<vmem>>
        %dma_start3A_55 = arith.constant 0 : i32
        %dma_start3A_56 = arith.constant 0 : i32
        %dma_start3A_57 = tpu.memref_slice %arg11[%dma_start3A_55, %dma_start3A_56] : memref<10016x64xf32, #tpu.memory_space<vmem_shared>> -> memref<10016x64xf32, #tpu.memory_space<vmem_shared>>
        tpu.enqueue_indirect_dma source(%arg9 : memref<64x64xf32, #tpu.memory_space<vmem>>) target(%dma_start3A_57 : memref<10016x64xf32, #tpu.memory_space<vmem_shared>>) offsets(%dma_start3A_54 : memref<64xi32, #tpu.memory_space<vmem>>) semaphore(%run_scoped3A : memref<!tpu.dma_semaphore, #tpu.memory_space<semaphore_mem>>) {add = true}
        %dma_wait3A = arith.constant 0 : i32
        %dma_wait3A_58 = tpu.memref_slice %arg8[%add3A_52, %dma_wait3A] : memref<157x64xi32, #tpu.memory_space<vmem>> -> memref<1x64xi32, #tpu.memory_space<vmem>>
        %dma_wait3A_59 = tpu.memref_squeeze %dma_wait3A_58 : memref<1x64xi32, #tpu.memory_space<vmem>> -> memref<64xi32, #tpu.memory_space<vmem>>
        %dma_wait3A_60 = arith.constant 0 : i32
        %dma_wait3A_61 = arith.constant 0 : i32
        %dma_wait3A_62 = tpu.memref_slice %arg11[%dma_wait3A_60, %dma_wait3A_61] : memref<10016x64xf32, #tpu.memory_space<vmem_shared>> -> memref<10016x64xf32, #tpu.memory_space<vmem_shared>>
        tpu.wait_indirect_dma semaphore(%run_scoped3A : memref<!tpu.dma_semaphore, #tpu.memory_space<semaphore_mem>>) src(%arg9 : memref<64x64xf32, #tpu.memory_space<vmem>>) dst(%dma_wait3A_62 : memref<10016x64xf32, #tpu.memory_space<vmem_shared>>)
        tpu.yield
      }) : () -> ()
    }
    %scan3A_38 = arith.constant 157 : i32
    %barrier3A_39 = arith.constant 0 : index
    tpu.barrier barrier_id(%barrier3A_39)
    %not3A_40 = arith.constant true
    %not3A_41 = arith.xori %eq3A_3, %not3A_40 : i1
    %convert_element_type3A_42 = arith.extui %not3A_41 : i1 to i32
    %cond3A_43 = arith.constant 0 : i32
    %cond3A_44 = arith.cmpi ne, %convert_element_type3A_42, %cond3A_43 : i32
    scf.if %cond3A_44 {
      "tpu.region"() ({
        %run_scoped3A = tpu.sem_alloc : memref<!tpu.dma_semaphore, #tpu.memory_space<semaphore_mem>>
        %dma_start3A = arith.constant 0 : i32
        %dma_start3A_48 = tpu.memref_slice %arg6[%arg0, %mul3A_2, %dma_start3A] : memref<2x10000x64xf32, #tpu.memory_space<hbm>> -> memref<1x624x64xf32, #tpu.memory_space<hbm>>
        %dma_start3A_49 = tpu.memref_squeeze %dma_start3A_48 : memref<1x624x64xf32, #tpu.memory_space<hbm>> -> memref<624x64xf32, #tpu.memory_space<hbm>>
        %dma_start3A_50 = arith.constant 0 : i32
        %dma_start3A_51 = tpu.memref_slice %arg11[%mul3A_2, %dma_start3A_50] : memref<10016x64xf32, #tpu.memory_space<vmem_shared>> -> memref<624x64xf32, #tpu.memory_space<vmem_shared>>
        tpu.enqueue_dma source(%dma_start3A_51 : memref<624x64xf32, #tpu.memory_space<vmem_shared>>) target(%dma_start3A_49 : memref<624x64xf32, #tpu.memory_space<hbm>>) target_semaphore(%run_scoped3A : memref<!tpu.dma_semaphore, #tpu.memory_space<semaphore_mem>>)
        %dma_wait3A = arith.constant 0 : i32
        %dma_wait3A_52 = tpu.memref_slice %arg6[%arg0, %mul3A_2, %dma_wait3A] : memref<2x10000x64xf32, #tpu.memory_space<hbm>> -> memref<1x624x64xf32, #tpu.memory_space<hbm>>
        %dma_wait3A_53 = tpu.memref_squeeze %dma_wait3A_52 : memref<1x624x64xf32, #tpu.memory_space<hbm>> -> memref<624x64xf32, #tpu.memory_space<hbm>>
        %dma_wait3A_54 = arith.constant 0 : i32
        %dma_wait3A_55 = tpu.memref_slice %arg11[%mul3A_2, %dma_wait3A_54] : memref<10016x64xf32, #tpu.memory_space<vmem_shared>> -> memref<624x64xf32, #tpu.memory_space<vmem_shared>>
        tpu.wait_dma2 semaphore(%run_scoped3A : memref<!tpu.dma_semaphore, #tpu.memory_space<semaphore_mem>>) src(%dma_wait3A_55 : memref<624x64xf32, #tpu.memory_space<vmem_shared>>) dst(%dma_wait3A_53 : memref<624x64xf32, #tpu.memory_space<hbm>>)
        tpu.yield
      }) : () -> ()
    } else {
    }
    %convert_element_type3A_45 = arith.extui %eq3A_3 : i1 to i32
    %cond3A_46 = arith.constant 0 : i32
    %cond3A_47 = arith.cmpi ne, %convert_element_type3A_45, %cond3A_46 : i32
    scf.if %cond3A_47 {
      "tpu.region"() ({
        %run_scoped3A = tpu.sem_alloc : memref<!tpu.dma_semaphore, #tpu.memory_space<semaphore_mem>>
        %dma_start3A = arith.constant 0 : i32
        %dma_start3A_48 = tpu.memref_slice %arg6[%arg0, %mul3A_2, %dma_start3A] : memref<2x10000x64xf32, #tpu.memory_space<hbm>> -> memref<1x640x64xf32, #tpu.memory_space<hbm>>
        %dma_start3A_49 = tpu.memref_squeeze %dma_start3A_48 : memref<1x640x64xf32, #tpu.memory_space<hbm>> -> memref<640x64xf32, #tpu.memory_space<hbm>>
        %dma_start3A_50 = arith.constant 0 : i32
        %dma_start3A_51 = tpu.memref_slice %arg11[%mul3A_2, %dma_start3A_50] : memref<10016x64xf32, #tpu.memory_space<vmem_shared>> -> memref<640x64xf32, #tpu.memory_space<vmem_shared>>
        tpu.enqueue_dma source(%dma_start3A_51 : memref<640x64xf32, #tpu.memory_space<vmem_shared>>) target(%dma_start3A_49 : memref<640x64xf32, #tpu.memory_space<hbm>>) target_semaphore(%run_scoped3A : memref<!tpu.dma_semaphore, #tpu.memory_space<semaphore_mem>>)
        %dma_wait3A = arith.constant 0 : i32
        %dma_wait3A_52 = tpu.memref_slice %arg6[%arg0, %mul3A_2, %dma_wait3A] : memref<2x10000x64xf32, #tpu.memory_space<hbm>> -> memref<1x640x64xf32, #tpu.memory_space<hbm>>
        %dma_wait3A_53 = tpu.memref_squeeze %dma_wait3A_52 : memref<1x640x64xf32, #tpu.memory_space<hbm>> -> memref<640x64xf32, #tpu.memory_space<hbm>>
        %dma_wait3A_54 = arith.constant 0 : i32
        %dma_wait3A_55 = tpu.memref_slice %arg11[%mul3A_2, %dma_wait3A_54] : memref<10016x64xf32, #tpu.memory_space<vmem_shared>> -> memref<640x64xf32, #tpu.memory_space<vmem_shared>>
        tpu.wait_dma2 semaphore(%run_scoped3A : memref<!tpu.dma_semaphore, #tpu.memory_space<semaphore_mem>>) src(%dma_wait3A_55 : memref<640x64xf32, #tpu.memory_space<vmem_shared>>) dst(%dma_wait3A_53 : memref<640x64xf32, #tpu.memory_space<hbm>>)
        tpu.yield
      }) : () -> ()
    } else {
    }
    return
  }
}

#map = affine_map<(d0, d1) -> (0, 0)>
#map1 = affine_map<(d0, d1) -> (0, 0, 0)>
module attributes {stable_mosaic.version = 14 : i64} {
  func.func @body(%arg0: i32, %arg1: i32, %arg2: memref<10000x64xf32, #tpu.memory_space<hbm>>, %arg3: memref<32x157x64xi32, #tpu.memory_space<hbm>>, %arg4: memref<32x157x64xi32, #tpu.memory_space<hbm>>, %arg5: memref<640x64xf32, #tpu.memory_space<hbm>>, %arg6: memref<2x10000x64xf32, #tpu.memory_space<hbm>>, %arg7: memref<157x64xi32, #tpu.memory_space<vmem>>, %arg8: memref<157x64xi32, #tpu.memory_space<vmem>>, %arg9: memref<64x64xf32, #tpu.memory_space<vmem>>, %arg10: memref<64x64xf32, #tpu.memory_space<vmem>>, %arg11: memref<10016x64xf32, #tpu.memory_space<vmem_shared>>, %arg12: memref<10000x64xf32, #tpu.memory_space<vmem_shared>>, %arg13: memref<!tpu.dma_semaphore, #tpu.memory_space<semaphore_mem>>, %arg14: memref<!tpu.dma_semaphore, #tpu.memory_space<semaphore_mem>>) attributes {dimension_semantics = [#tpu.dimension_semantics<core_parallel>, #tpu.dimension_semantics<subcore_parallel>], iteration_bounds = array<i64: 2, 16>, scalar_prefetch = 0 : i64, scratch_operands = 8 : i64, tpu.core_type = #tpu.core_type<sc_vector_subcore>, window_params = [{transform_indices = #map}, {transform_indices = #map1}, {transform_indices = #map1}, {transform_indices = #map}, {transform_indices = #map1}]} {
    %mul3A = arith.constant 2 : i32
    %mul3A_0 = arith.muli %arg1, %mul3A : i32
    %add3A = arith.addi %mul3A_0, %arg0 : i32
    %mul3A_1 = arith.constant 624 : i32
    %mul3A_2 = arith.muli %arg1, %mul3A_1 : i32
    %eq3A = arith.constant 15 : i32
    %eq3A_3 = arith.cmpi eq, %arg1, %eq3A : i32
    %not3A = arith.constant true
    %not3A_4 = arith.xori %eq3A_3, %not3A : i1
    %convert_element_type3A = arith.extui %not3A_4 : i1 to i32
    %cond3A = arith.constant 0 : i32
    %cond3A_5 = arith.cmpi ne, %convert_element_type3A, %cond3A : i32
    scf.if %cond3A_5 {
      "tpu.region"() ({
        %run_scoped3A = tpu.sem_alloc : memref<!tpu.dma_semaphore, #tpu.memory_space<semaphore_mem>>
        %dma_start3A = arith.constant 0 : i32
        %dma_start3A_48 = tpu.memref_slice %arg12[%mul3A_2, %dma_start3A] : memref<10000x64xf32, #tpu.memory_space<vmem_shared>> -> memref<624x64xf32, #tpu.memory_space<vmem_shared>>
        %dma_start3A_49 = arith.constant 0 : i32
        %dma_start3A_50 = tpu.memref_slice %arg2[%mul3A_2, %dma_start3A_49] : memref<10000x64xf32, #tpu.memory_space<hbm>> -> memref<624x64xf32, #tpu.memory_space<hbm>>
        tpu.enqueue_dma source(%dma_start3A_50 : memref<624x64xf32, #tpu.memory_space<hbm>>) target(%dma_start3A_48 : memref<624x64xf32, #tpu.memory_space<vmem_shared>>) target_semaphore(%run_scoped3A : memref<!tpu.dma_semaphore, #tpu.memory_space<semaphore_mem>>)
        %dma_wait3A = arith.constant 0 : i32
        %dma_wait3A_51 = tpu.memref_slice %arg12[%mul3A_2, %dma_wait3A] : memref<10000x64xf32, #tpu.memory_space<vmem_shared>> -> memref<624x64xf32, #tpu.memory_space<vmem_shared>>
        %dma_wait3A_52 = arith.constant 0 : i32
        %dma_wait3A_53 = tpu.memref_slice %arg2[%mul3A_2, %dma_wait3A_52] : memref<10000x64xf32, #tpu.memory_space<hbm>> -> memref<624x64xf32, #tpu.memory_space<hbm>>
        tpu.wait_dma2 semaphore(%run_scoped3A : memref<!tpu.dma_semaphore, #tpu.memory_space<semaphore_mem>>) src(%dma_wait3A_53 : memref<624x64xf32, #tpu.memory_space<hbm>>) dst(%dma_wait3A_51 : memref<624x64xf32, #tpu.memory_space<vmem_shared>>)
        tpu.yield
      }) : () -> ()
    } else {
    }
    %convert_element_type3A_6 = arith.extui %eq3A_3 : i1 to i32
    %cond3A_7 = arith.constant 0 : i32
    %cond3A_8 = arith.cmpi ne, %convert_element_type3A_6, %cond3A_7 : i32
    scf.if %cond3A_8 {
      "tpu.region"() ({
        %run_scoped3A = tpu.sem_alloc : memref<!tpu.dma_semaphore, #tpu.memory_space<semaphore_mem>>
        %dma_start3A = arith.constant 0 : i32
        %dma_start3A_48 = tpu.memref_slice %arg12[%mul3A_2, %dma_start3A] : memref<10000x64xf32, #tpu.memory_space<vmem_shared>> -> memref<640x64xf32, #tpu.memory_space<vmem_shared>>
        %dma_start3A_49 = arith.constant 0 : i32
        %dma_start3A_50 = tpu.memref_slice %arg2[%mul3A_2, %dma_start3A_49] : memref<10000x64xf32, #tpu.memory_space<hbm>> -> memref<640x64xf32, #tpu.memory_space<hbm>>
        tpu.enqueue_dma source(%dma_start3A_50 : memref<640x64xf32, #tpu.memory_space<hbm>>) target(%dma_start3A_48 : memref<640x64xf32, #tpu.memory_space<vmem_shared>>) target_semaphore(%run_scoped3A : memref<!tpu.dma_semaphore, #tpu.memory_space<semaphore_mem>>)
        %dma_wait3A = arith.constant 0 : i32
        %dma_wait3A_51 = tpu.memref_slice %arg12[%mul3A_2, %dma_wait3A] : memref<10000x64xf32, #tpu.memory_space<vmem_shared>> -> memref<640x64xf32, #tpu.memory_space<vmem_shared>>
        %dma_wait3A_52 = arith.constant 0 : i32
        %dma_wait3A_53 = tpu.memref_slice %arg2[%mul3A_2, %dma_wait3A_52] : memref<10000x64xf32, #tpu.memory_space<hbm>> -> memref<640x64xf32, #tpu.memory_space<hbm>>
        tpu.wait_dma2 semaphore(%run_scoped3A : memref<!tpu.dma_semaphore, #tpu.memory_space<semaphore_mem>>) src(%dma_wait3A_53 : memref<640x64xf32, #tpu.memory_space<hbm>>) dst(%dma_wait3A_51 : memref<640x64xf32, #tpu.memory_space<vmem_shared>>)
        tpu.yield
      }) : () -> ()
    } else {
    }
    %eq3A_9 = arith.constant 0 : i32
    %eq3A_10 = arith.cmpi eq, %arg0, %eq3A_9 : i32
    %not3A_11 = arith.constant true
    %not3A_12 = arith.xori %eq3A_3, %not3A_11 : i1
    %and3A = arith.andi %eq3A_10, %not3A_12 : i1
    %convert_element_type3A_13 = arith.extui %and3A : i1 to i32
    %cond3A_14 = arith.constant 0 : i32
    %cond3A_15 = arith.cmpi ne, %convert_element_type3A_13, %cond3A_14 : i32
    scf.if %cond3A_15 {
      "tpu.region"() ({
        %run_scoped3A = tpu.sem_alloc : memref<!tpu.dma_semaphore, #tpu.memory_space<semaphore_mem>>
        %dma_start3A = arith.constant 0 : i32
        %dma_start3A_48 = tpu.memref_slice %arg11[%mul3A_2, %dma_start3A] : memref<10016x64xf32, #tpu.memory_space<vmem_shared>> -> memref<624x64xf32, #tpu.memory_space<vmem_shared>>
        %dma_start3A_49 = arith.constant 0 : i32
        %dma_start3A_50 = tpu.memref_slice %arg12[%mul3A_2, %dma_start3A_49] : memref<10000x64xf32, #tpu.memory_space<vmem_shared>> -> memref<624x64xf32, #tpu.memory_space<vmem_shared>>
        tpu.enqueue_dma source(%dma_start3A_50 : memref<624x64xf32, #tpu.memory_space<vmem_shared>>) target(%dma_start3A_48 : memref<624x64xf32, #tpu.memory_space<vmem_shared>>) target_semaphore(%run_scoped3A : memref<!tpu.dma_semaphore, #tpu.memory_space<semaphore_mem>>)
        %dma_wait3A = arith.constant 0 : i32
        %dma_wait3A_51 = tpu.memref_slice %arg11[%mul3A_2, %dma_wait3A] : memref<10016x64xf32, #tpu.memory_space<vmem_shared>> -> memref<624x64xf32, #tpu.memory_space<vmem_shared>>
        %dma_wait3A_52 = arith.constant 0 : i32
        %dma_wait3A_53 = tpu.memref_slice %arg12[%mul3A_2, %dma_wait3A_52] : memref<10000x64xf32, #tpu.memory_space<vmem_shared>> -> memref<624x64xf32, #tpu.memory_space<vmem_shared>>
        tpu.wait_dma2 semaphore(%run_scoped3A : memref<!tpu.dma_semaphore, #tpu.memory_space<semaphore_mem>>) src(%dma_wait3A_53 : memref<624x64xf32, #tpu.memory_space<vmem_shared>>) dst(%dma_wait3A_51 : memref<624x64xf32, #tpu.memory_space<vmem_shared>>)
        tpu.yield
      }) : () -> ()
    } else {
    }
    %eq3A_16 = arith.constant 0 : i32
    %eq3A_17 = arith.cmpi eq, %arg0, %eq3A_16 : i32
    %and3A_18 = arith.andi %eq3A_17, %eq3A_3 : i1
    %convert_element_type3A_19 = arith.extui %and3A_18 : i1 to i32
    %cond3A_20 = arith.constant 0 : i32
    %cond3A_21 = arith.cmpi ne, %convert_element_type3A_19, %cond3A_20 : i32
    scf.if %cond3A_21 {
      "tpu.region"() ({
        %run_scoped3A = tpu.sem_alloc : memref<!tpu.dma_semaphore, #tpu.memory_space<semaphore_mem>>
        %dma_start3A = arith.constant 0 : i32
        %dma_start3A_48 = tpu.memref_slice %arg11[%mul3A_2, %dma_start3A] : memref<10016x64xf32, #tpu.memory_space<vmem_shared>> -> memref<640x64xf32, #tpu.memory_space<vmem_shared>>
        %dma_start3A_49 = arith.constant 0 : i32
        %dma_start3A_50 = tpu.memref_slice %arg12[%mul3A_2, %dma_start3A_49] : memref<10000x64xf32, #tpu.memory_space<vmem_shared>> -> memref<640x64xf32, #tpu.memory_space<vmem_shared>>
        tpu.enqueue_dma source(%dma_start3A_50 : memref<640x64xf32, #tpu.memory_space<vmem_shared>>) target(%dma_start3A_48 : memref<640x64xf32, #tpu.memory_space<vmem_shared>>) target_semaphore(%run_scoped3A : memref<!tpu.dma_semaphore, #tpu.memory_space<semaphore_mem>>)
        %dma_wait3A = arith.constant 0 : i32
        %dma_wait3A_51 = tpu.memref_slice %arg11[%mul3A_2, %dma_wait3A] : memref<10016x64xf32, #tpu.memory_space<vmem_shared>> -> memref<640x64xf32, #tpu.memory_space<vmem_shared>>
        %dma_wait3A_52 = arith.constant 0 : i32
        %dma_wait3A_53 = tpu.memref_slice %arg12[%mul3A_2, %dma_wait3A_52] : memref<10000x64xf32, #tpu.memory_space<vmem_shared>> -> memref<640x64xf32, #tpu.memory_space<vmem_shared>>
        tpu.wait_dma2 semaphore(%run_scoped3A : memref<!tpu.dma_semaphore, #tpu.memory_space<semaphore_mem>>) src(%dma_wait3A_53 : memref<640x64xf32, #tpu.memory_space<vmem_shared>>) dst(%dma_wait3A_51 : memref<640x64xf32, #tpu.memory_space<vmem_shared>>)
        tpu.yield
      }) : () -> ()
    } else {
    }
    %ne3A = arith.constant 0 : i32
    %ne3A_22 = arith.cmpi ne, %arg0, %ne3A : i32
    %not3A_23 = arith.constant true
    %not3A_24 = arith.xori %eq3A_3, %not3A_23 : i1
    %and3A_25 = arith.andi %ne3A_22, %not3A_24 : i1
    %convert_element_type3A_26 = arith.extui %and3A_25 : i1 to i32
    %cond3A_27 = arith.constant 0 : i32
    %cond3A_28 = arith.cmpi ne, %convert_element_type3A_26, %cond3A_27 : i32
    scf.if %cond3A_28 {
      "tpu.region"() ({
        %run_scoped3A = tpu.sem_alloc : memref<!tpu.dma_semaphore, #tpu.memory_space<semaphore_mem>>
        %dma_start3A = arith.constant 0 : i32
        %dma_start3A_48 = tpu.memref_slice %arg11[%mul3A_2, %dma_start3A] : memref<10016x64xf32, #tpu.memory_space<vmem_shared>> -> memref<624x64xf32, #tpu.memory_space<vmem_shared>>
        %dma_start3A_49 = arith.constant 0 : i32
        %dma_start3A_50 = arith.constant 0 : i32
        %dma_start3A_51 = tpu.memref_slice %arg5[%dma_start3A_49, %dma_start3A_50] : memref<640x64xf32, #tpu.memory_space<hbm>> -> memref<624x64xf32, #tpu.memory_space<hbm>>
        tpu.enqueue_dma source(%dma_start3A_51 : memref<624x64xf32, #tpu.memory_space<hbm>>) target(%dma_start3A_48 : memref<624x64xf32, #tpu.memory_space<vmem_shared>>) target_semaphore(%run_scoped3A : memref<!tpu.dma_semaphore, #tpu.memory_space<semaphore_mem>>)
        %dma_wait3A = arith.constant 0 : i32
        %dma_wait3A_52 = tpu.memref_slice %arg11[%mul3A_2, %dma_wait3A] : memref<10016x64xf32, #tpu.memory_space<vmem_shared>> -> memref<624x64xf32, #tpu.memory_space<vmem_shared>>
        %dma_wait3A_53 = arith.constant 0 : i32
        %dma_wait3A_54 = arith.constant 0 : i32
        %dma_wait3A_55 = tpu.memref_slice %arg5[%dma_wait3A_53, %dma_wait3A_54] : memref<640x64xf32, #tpu.memory_space<hbm>> -> memref<624x64xf32, #tpu.memory_space<hbm>>
        tpu.wait_dma2 semaphore(%run_scoped3A : memref<!tpu.dma_semaphore, #tpu.memory_space<semaphore_mem>>) src(%dma_wait3A_55 : memref<624x64xf32, #tpu.memory_space<hbm>>) dst(%dma_wait3A_52 : memref<624x64xf32, #tpu.memory_space<vmem_shared>>)
        tpu.yield
      }) : () -> ()
    } else {
    }
    %ne3A_29 = arith.constant 0 : i32
    %ne3A_30 = arith.cmpi ne, %arg0, %ne3A_29 : i32
    %and3A_31 = arith.andi %ne3A_30, %eq3A_3 : i1
    %convert_element_type3A_32 = arith.extui %and3A_31 : i1 to i32
    %cond3A_33 = arith.constant 0 : i32
    %cond3A_34 = arith.cmpi ne, %convert_element_type3A_32, %cond3A_33 : i32
    scf.if %cond3A_34 {
      "tpu.region"() ({
        %run_scoped3A = tpu.sem_alloc : memref<!tpu.dma_semaphore, #tpu.memory_space<semaphore_mem>>
        %dma_start3A = arith.constant 0 : i32
        %dma_start3A_48 = tpu.memref_slice %arg11[%mul3A_2, %dma_start3A] : memref<10016x64xf32, #tpu.memory_space<vmem_shared>> -> memref<640x64xf32, #tpu.memory_space<vmem_shared>>
        tpu.enqueue_dma source(%arg5 : memref<640x64xf32, #tpu.memory_space<hbm>>) target(%dma_start3A_48 : memref<640x64xf32, #tpu.memory_space<vmem_shared>>) target_semaphore(%run_scoped3A : memref<!tpu.dma_semaphore, #tpu.memory_space<semaphore_mem>>)
        %dma_wait3A = arith.constant 0 : i32
        %dma_wait3A_49 = tpu.memref_slice %arg11[%mul3A_2, %dma_wait3A] : memref<10016x64xf32, #tpu.memory_space<vmem_shared>> -> memref<640x64xf32, #tpu.memory_space<vmem_shared>>
        tpu.wait_dma2 semaphore(%run_scoped3A : memref<!tpu.dma_semaphore, #tpu.memory_space<semaphore_mem>>) src(%arg5 : memref<640x64xf32, #tpu.memory_space<hbm>>) dst(%dma_wait3A_49 : memref<640x64xf32, #tpu.memory_space<vmem_shared>>)
        tpu.yield
      }) : () -> ()
    } else {
    }
    "tpu.region"() ({
      %run_scoped3A = tpu.sem_alloc : memref<!tpu.dma_semaphore, #tpu.memory_space<semaphore_mem>>
      %dma_start3A = arith.constant 0 : i32
      %dma_start3A_48 = arith.constant 0 : i32
      %dma_start3A_49 = tpu.memref_slice %arg3[%add3A, %dma_start3A, %dma_start3A_48] : memref<32x157x64xi32, #tpu.memory_space<hbm>> -> memref<1x157x64xi32, #tpu.memory_space<hbm>>
      %dma_start3A_50 = tpu.memref_squeeze %dma_start3A_49 : memref<1x157x64xi32, #tpu.memory_space<hbm>> -> memref<157x64xi32, #tpu.memory_space<hbm>>
      %dma_start3A_51 = arith.constant 0 : i32
      %dma_start3A_52 = arith.constant 0 : i32
      %dma_start3A_53 = tpu.memref_slice %arg3[%add3A, %dma_start3A_51, %dma_start3A_52] : memref<32x157x64xi32, #tpu.memory_space<hbm>> -> memref<1x157x64xi32, #tpu.memory_space<hbm>>
      %dma_start3A_54 = tpu.memref_squeeze %dma_start3A_53 : memref<1x157x64xi32, #tpu.memory_space<hbm>> -> memref<157x64xi32, #tpu.memory_space<hbm>>
      tpu.enqueue_dma source(%dma_start3A_54 : memref<157x64xi32, #tpu.memory_space<hbm>>) target(%arg7 : memref<157x64xi32, #tpu.memory_space<vmem>>) target_semaphore(%run_scoped3A : memref<!tpu.dma_semaphore, #tpu.memory_space<semaphore_mem>>)
      %dma_wait3A = arith.constant 0 : i32
      %dma_wait3A_55 = arith.constant 0 : i32
      %dma_wait3A_56 = tpu.memref_slice %arg3[%add3A, %dma_wait3A, %dma_wait3A_55] : memref<32x157x64xi32, #tpu.memory_space<hbm>> -> memref<1x157x64xi32, #tpu.memory_space<hbm>>
      %dma_wait3A_57 = tpu.memref_squeeze %dma_wait3A_56 : memref<1x157x64xi32, #tpu.memory_space<hbm>> -> memref<157x64xi32, #tpu.memory_space<hbm>>
      %dma_wait3A_58 = arith.constant 0 : i32
      %dma_wait3A_59 = arith.constant 0 : i32
      %dma_wait3A_60 = tpu.memref_slice %arg3[%add3A, %dma_wait3A_58, %dma_wait3A_59] : memref<32x157x64xi32, #tpu.memory_space<hbm>> -> memref<1x157x64xi32, #tpu.memory_space<hbm>>
      %dma_wait3A_61 = tpu.memref_squeeze %dma_wait3A_60 : memref<1x157x64xi32, #tpu.memory_space<hbm>> -> memref<157x64xi32, #tpu.memory_space<hbm>>
      tpu.wait_dma2 semaphore(%run_scoped3A : memref<!tpu.dma_semaphore, #tpu.memory_space<semaphore_mem>>) src(%dma_wait3A_61 : memref<157x64xi32, #tpu.memory_space<hbm>>) dst(%arg7 : memref<157x64xi32, #tpu.memory_space<vmem>>)
      tpu.yield
    }) : () -> ()
    "tpu.region"() ({
      %run_scoped3A = tpu.sem_alloc : memref<!tpu.dma_semaphore, #tpu.memory_space<semaphore_mem>>
      %dma_start3A = arith.constant 0 : i32
      %dma_start3A_48 = arith.constant 0 : i32
      %dma_start3A_49 = tpu.memref_slice %arg4[%add3A, %dma_start3A, %dma_start3A_48] : memref<32x157x64xi32, #tpu.memory_space<hbm>> -> memref<1x157x64xi32, #tpu.memory_space<hbm>>
      %dma_start3A_50 = tpu.memref_squeeze %dma_start3A_49 : memref<1x157x64xi32, #tpu.memory_space<hbm>> -> memref<157x64xi32, #tpu.memory_space<hbm>>
      %dma_start3A_51 = arith.constant 0 : i32
      %dma_start3A_52 = arith.constant 0 : i32
      %dma_start3A_53 = tpu.memref_slice %arg4[%add3A, %dma_start3A_51, %dma_start3A_52] : memref<32x157x64xi32, #tpu.memory_space<hbm>> -> memref<1x157x64xi32, #tpu.memory_space<hbm>>
      %dma_start3A_54 = tpu.memref_squeeze %dma_start3A_53 : memref<1x157x64xi32, #tpu.memory_space<hbm>> -> memref<157x64xi32, #tpu.memory_space<hbm>>
      tpu.enqueue_dma source(%dma_start3A_54 : memref<157x64xi32, #tpu.memory_space<hbm>>) target(%arg8 : memref<157x64xi32, #tpu.memory_space<vmem>>) target_semaphore(%run_scoped3A : memref<!tpu.dma_semaphore, #tpu.memory_space<semaphore_mem>>)
      %dma_wait3A = arith.constant 0 : i32
      %dma_wait3A_55 = arith.constant 0 : i32
      %dma_wait3A_56 = tpu.memref_slice %arg4[%add3A, %dma_wait3A, %dma_wait3A_55] : memref<32x157x64xi32, #tpu.memory_space<hbm>> -> memref<1x157x64xi32, #tpu.memory_space<hbm>>
      %dma_wait3A_57 = tpu.memref_squeeze %dma_wait3A_56 : memref<1x157x64xi32, #tpu.memory_space<hbm>> -> memref<157x64xi32, #tpu.memory_space<hbm>>
      %dma_wait3A_58 = arith.constant 0 : i32
      %dma_wait3A_59 = arith.constant 0 : i32
      %dma_wait3A_60 = tpu.memref_slice %arg4[%add3A, %dma_wait3A_58, %dma_wait3A_59] : memref<32x157x64xi32, #tpu.memory_space<hbm>> -> memref<1x157x64xi32, #tpu.memory_space<hbm>>
      %dma_wait3A_61 = tpu.memref_squeeze %dma_wait3A_60 : memref<1x157x64xi32, #tpu.memory_space<hbm>> -> memref<157x64xi32, #tpu.memory_space<hbm>>
      tpu.wait_dma2 semaphore(%run_scoped3A : memref<!tpu.dma_semaphore, #tpu.memory_space<semaphore_mem>>) src(%dma_wait3A_61 : memref<157x64xi32, #tpu.memory_space<hbm>>) dst(%arg8 : memref<157x64xi32, #tpu.memory_space<vmem>>)
      tpu.yield
    }) : () -> ()
    %barrier3A = arith.constant 0 : index
    tpu.barrier barrier_id(%barrier3A)
    %scan3A = arith.constant 0 : i32
    %scan3A_35 = arith.constant 157 : i32
    %scan3A_36 = arith.addi %scan3A, %scan3A_35 : i32
    %scan3A_37 = arith.constant 1 : i32
    scf.for %scan3A_48 = %scan3A to %scan3A_36 step %scan3A_37  : i32 {
      %mul3A_49 = arith.constant 1 : i32
      %mul3A_50 = arith.muli %scan3A_48, %mul3A_49 : i32
      %add3A_51 = arith.constant 0 : i32
      %add3A_52 = arith.addi %add3A_51, %mul3A_50 : i32
      "tpu.region"() ({
        %run_scoped3A = tpu.sem_alloc : memref<!tpu.dma_semaphore, #tpu.memory_space<semaphore_mem>>
        %dma_start3A = arith.constant 0 : i32
        %dma_start3A_53 = tpu.memref_slice %arg7[%add3A_52, %dma_start3A] : memref<157x64xi32, #tpu.memory_space<vmem>> -> memref<1x64xi32, #tpu.memory_space<vmem>>
        %dma_start3A_54 = tpu.memref_squeeze %dma_start3A_53 : memref<1x64xi32, #tpu.memory_space<vmem>> -> memref<64xi32, #tpu.memory_space<vmem>>
        %dma_start3A_55 = arith.constant 0 : i32
        %dma_start3A_56 = arith.constant 0 : i32
        %dma_start3A_57 = tpu.memref_slice %arg12[%dma_start3A_55, %dma_start3A_56] : memref<10000x64xf32, #tpu.memory_space<vmem_shared>> -> memref<10000x64xf32, #tpu.memory_space<vmem_shared>>
        tpu.enqueue_indirect_dma source(%dma_start3A_57 : memref<10000x64xf32, #tpu.memory_space<vmem_shared>>) target(%arg9 : memref<64x64xf32, #tpu.memory_space<vmem>>) offsets(%dma_start3A_54 : memref<64xi32, #tpu.memory_space<vmem>>) semaphore(%run_scoped3A : memref<!tpu.dma_semaphore, #tpu.memory_space<semaphore_mem>>)
        %dma_wait3A = arith.constant 0 : i32
        %dma_wait3A_58 = tpu.memref_slice %arg7[%add3A_52, %dma_wait3A] : memref<157x64xi32, #tpu.memory_space<vmem>> -> memref<1x64xi32, #tpu.memory_space<vmem>>
        %dma_wait3A_59 = tpu.memref_squeeze %dma_wait3A_58 : memref<1x64xi32, #tpu.memory_space<vmem>> -> memref<64xi32, #tpu.memory_space<vmem>>
        %dma_wait3A_60 = arith.constant 0 : i32
        %dma_wait3A_61 = arith.constant 0 : i32
        %dma_wait3A_62 = tpu.memref_slice %arg12[%dma_wait3A_60, %dma_wait3A_61] : memref<10000x64xf32, #tpu.memory_space<vmem_shared>> -> memref<10000x64xf32, #tpu.memory_space<vmem_shared>>
        tpu.wait_indirect_dma semaphore(%run_scoped3A : memref<!tpu.dma_semaphore, #tpu.memory_space<semaphore_mem>>) src(%dma_wait3A_62 : memref<10000x64xf32, #tpu.memory_space<vmem_shared>>) dst(%arg9 : memref<64x64xf32, #tpu.memory_space<vmem>>)
        tpu.yield
      }) : () -> ()
      "tpu.region"() ({
        %run_scoped3A = tpu.sem_alloc : memref<!tpu.dma_semaphore, #tpu.memory_space<semaphore_mem>>
        %dma_start3A = arith.constant 0 : i32
        %dma_start3A_53 = tpu.memref_slice %arg8[%add3A_52, %dma_start3A] : memref<157x64xi32, #tpu.memory_space<vmem>> -> memref<1x64xi32, #tpu.memory_space<vmem>>
        %dma_start3A_54 = tpu.memref_squeeze %dma_start3A_53 : memref<1x64xi32, #tpu.memory_space<vmem>> -> memref<64xi32, #tpu.memory_space<vmem>>
        %dma_start3A_55 = arith.constant 0 : i32
        %dma_start3A_56 = arith.constant 0 : i32
        %dma_start3A_57 = tpu.memref_slice %arg11[%dma_start3A_55, %dma_start3A_56] : memref<10016x64xf32, #tpu.memory_space<vmem_shared>> -> memref<10016x64xf32, #tpu.memory_space<vmem_shared>>
        tpu.enqueue_indirect_dma source(%arg9 : memref<64x64xf32, #tpu.memory_space<vmem>>) target(%dma_start3A_57 : memref<10016x64xf32, #tpu.memory_space<vmem_shared>>) offsets(%dma_start3A_54 : memref<64xi32, #tpu.memory_space<vmem>>) semaphore(%run_scoped3A : memref<!tpu.dma_semaphore, #tpu.memory_space<semaphore_mem>>) {add = true}
        %dma_wait3A = arith.constant 0 : i32
        %dma_wait3A_58 = tpu.memref_slice %arg8[%add3A_52, %dma_wait3A] : memref<157x64xi32, #tpu.memory_space<vmem>> -> memref<1x64xi32, #tpu.memory_space<vmem>>
        %dma_wait3A_59 = tpu.memref_squeeze %dma_wait3A_58 : memref<1x64xi32, #tpu.memory_space<vmem>> -> memref<64xi32, #tpu.memory_space<vmem>>
        %dma_wait3A_60 = arith.constant 0 : i32
        %dma_wait3A_61 = arith.constant 0 : i32
        %dma_wait3A_62 = tpu.memref_slice %arg11[%dma_wait3A_60, %dma_wait3A_61] : memref<10016x64xf32, #tpu.memory_space<vmem_shared>> -> memref<10016x64xf32, #tpu.memory_space<vmem_shared>>
        tpu.wait_indirect_dma semaphore(%run_scoped3A : memref<!tpu.dma_semaphore, #tpu.memory_space<semaphore_mem>>) src(%arg9 : memref<64x64xf32, #tpu.memory_space<vmem>>) dst(%dma_wait3A_62 : memref<10016x64xf32, #tpu.memory_space<vmem_shared>>)
        tpu.yield
      }) : () -> ()
    }
    %scan3A_38 = arith.constant 157 : i32
    %barrier3A_39 = arith.constant 0 : index
    tpu.barrier barrier_id(%barrier3A_39)
    %not3A_40 = arith.constant true
    %not3A_41 = arith.xori %eq3A_3, %not3A_40 : i1
    %convert_element_type3A_42 = arith.extui %not3A_41 : i1 to i32
    %cond3A_43 = arith.constant 0 : i32
    %cond3A_44 = arith.cmpi ne, %convert_element_type3A_42, %cond3A_43 : i32
    scf.if %cond3A_44 {
      "tpu.region"() ({
        %run_scoped3A = tpu.sem_alloc : memref<!tpu.dma_semaphore, #tpu.memory_space<semaphore_mem>>
        %dma_start3A = arith.constant 0 : i32
        %dma_start3A_48 = tpu.memref_slice %arg6[%arg0, %mul3A_2, %dma_start3A] : memref<2x10000x64xf32, #tpu.memory_space<hbm>> -> memref<1x624x64xf32, #tpu.memory_space<hbm>>
        %dma_start3A_49 = tpu.memref_squeeze %dma_start3A_48 : memref<1x624x64xf32, #tpu.memory_space<hbm>> -> memref<624x64xf32, #tpu.memory_space<hbm>>
        %dma_start3A_50 = arith.constant 0 : i32
        %dma_start3A_51 = tpu.memref_slice %arg11[%mul3A_2, %dma_start3A_50] : memref<10016x64xf32, #tpu.memory_space<vmem_shared>> -> memref<624x64xf32, #tpu.memory_space<vmem_shared>>
        tpu.enqueue_dma source(%dma_start3A_51 : memref<624x64xf32, #tpu.memory_space<vmem_shared>>) target(%dma_start3A_49 : memref<624x64xf32, #tpu.memory_space<hbm>>) target_semaphore(%run_scoped3A : memref<!tpu.dma_semaphore, #tpu.memory_space<semaphore_mem>>)
        %dma_wait3A = arith.constant 0 : i32
        %dma_wait3A_52 = tpu.memref_slice %arg6[%arg0, %mul3A_2, %dma_wait3A] : memref<2x10000x64xf32, #tpu.memory_space<hbm>> -> memref<1x624x64xf32, #tpu.memory_space<hbm>>
        %dma_wait3A_53 = tpu.memref_squeeze %dma_wait3A_52 : memref<1x624x64xf32, #tpu.memory_space<hbm>> -> memref<624x64xf32, #tpu.memory_space<hbm>>
        %dma_wait3A_54 = arith.constant 0 : i32
        %dma_wait3A_55 = tpu.memref_slice %arg11[%mul3A_2, %dma_wait3A_54] : memref<10016x64xf32, #tpu.memory_space<vmem_shared>> -> memref<624x64xf32, #tpu.memory_space<vmem_shared>>
        tpu.wait_dma2 semaphore(%run_scoped3A : memref<!tpu.dma_semaphore, #tpu.memory_space<semaphore_mem>>) src(%dma_wait3A_55 : memref<624x64xf32, #tpu.memory_space<vmem_shared>>) dst(%dma_wait3A_53 : memref<624x64xf32, #tpu.memory_space<hbm>>)
        tpu.yield
      }) : () -> ()
    } else {
    }
    %convert_element_type3A_45 = arith.extui %eq3A_3 : i1 to i32
    %cond3A_46 = arith.constant 0 : i32
    %cond3A_47 = arith.cmpi ne, %convert_element_type3A_45, %cond3A_46 : i32
    scf.if %cond3A_47 {
      "tpu.region"() ({
        %run_scoped3A = tpu.sem_alloc : memref<!tpu.dma_semaphore, #tpu.memory_space<semaphore_mem>>
        %dma_start3A = arith.constant 0 : i32
        %dma_start3A_48 = tpu.memref_slice %arg6[%arg0, %mul3A_2, %dma_start3A] : memref<2x10000x64xf32, #tpu.memory_space<hbm>> -> memref<1x640x64xf32, #tpu.memory_space<hbm>>
        %dma_start3A_49 = tpu.memref_squeeze %dma_start3A_48 : memref<1x640x64xf32, #tpu.memory_space<hbm>> -> memref<640x64xf32, #tpu.memory_space<hbm>>
        %dma_start3A_50 = arith.constant 0 : i32
        %dma_start3A_51 = tpu.memref_slice %arg11[%mul3A_2, %dma_start3A_50] : memref<10016x64xf32, #tpu.memory_space<vmem_shared>> -> memref<640x64xf32, #tpu.memory_space<vmem_shared>>
        tpu.enqueue_dma source(%dma_start3A_51 : memref<640x64xf32, #tpu.memory_space<vmem_shared>>) target(%dma_start3A_49 : memref<640x64xf32, #tpu.memory_space<hbm>>) target_semaphore(%run_scoped3A : memref<!tpu.dma_semaphore, #tpu.memory_space<semaphore_mem>>)
        %dma_wait3A = arith.constant 0 : i32
        %dma_wait3A_52 = tpu.memref_slice %arg6[%arg0, %mul3A_2, %dma_wait3A] : memref<2x10000x64xf32, #tpu.memory_space<hbm>> -> memref<1x640x64xf32, #tpu.memory_space<hbm>>
        %dma_wait3A_53 = tpu.memref_squeeze %dma_wait3A_52 : memref<1x640x64xf32, #tpu.memory_space<hbm>> -> memref<640x64xf32, #tpu.memory_space<hbm>>
        %dma_wait3A_54 = arith.constant 0 : i32
        %dma_wait3A_55 = tpu.memref_slice %arg11[%mul3A_2, %dma_wait3A_54] : memref<10016x64xf32, #tpu.memory_space<vmem_shared>> -> memref<640x64xf32, #tpu.memory_space<vmem_shared>>
        tpu.wait_dma2 semaphore(%run_scoped3A : memref<!tpu.dma_semaphore, #tpu.memory_space<semaphore_mem>>) src(%dma_wait3A_55 : memref<640x64xf32, #tpu.memory_space<vmem_shared>>) dst(%dma_wait3A_53 : memref<640x64xf32, #tpu.memory_space<hbm>>)
        tpu.yield
      }) : () -> ()
    } else {
    }
    return
  }
}

#map = affine_map<(d0, d1) -> (0, 0)>
#map1 = affine_map<(d0, d1) -> (0, 0, 0)>
module attributes {stable_mosaic.version = 14 : i64} {
  func.func @body(%arg0: i32, %arg1: i32, %arg2: memref<10000x64xf32, #tpu.memory_space<hbm>>, %arg3: memref<32x157x64xi32, #tpu.memory_space<hbm>>, %arg4: memref<32x157x64xi32, #tpu.memory_space<hbm>>, %arg5: memref<640x64xf32, #tpu.memory_space<hbm>>, %arg6: memref<2x10000x64xf32, #tpu.memory_space<hbm>>, %arg7: memref<157x64xi32, #tpu.memory_space<vmem>>, %arg8: memref<157x64xi32, #tpu.memory_space<vmem>>, %arg9: memref<64x64xf32, #tpu.memory_space<vmem>>, %arg10: memref<64x64xf32, #tpu.memory_space<vmem>>, %arg11: memref<10016x64xf32, #tpu.memory_space<vmem_shared>>, %arg12: memref<10000x64xf32, #tpu.memory_space<vmem_shared>>, %arg13: memref<!tpu.dma_semaphore, #tpu.memory_space<semaphore_mem>>, %arg14: memref<!tpu.dma_semaphore, #tpu.memory_space<semaphore_mem>>) attributes {dimension_semantics = [#tpu.dimension_semantics<core_parallel>, #tpu.dimension_semantics<subcore_parallel>], iteration_bounds = array<i64: 2, 16>, scalar_prefetch = 0 : i64, scratch_operands = 8 : i64, tpu.core_type = #tpu.core_type<sc_vector_subcore>, window_params = [{transform_indices = #map}, {transform_indices = #map1}, {transform_indices = #map1}, {transform_indices = #map}, {transform_indices = #map1}]} {
    %mul3A = arith.constant 2 : i32
    %mul3A_0 = arith.muli %arg1, %mul3A : i32
    %add3A = arith.addi %mul3A_0, %arg0 : i32
    %mul3A_1 = arith.constant 624 : i32
    %mul3A_2 = arith.muli %arg1, %mul3A_1 : i32
    %eq3A = arith.constant 15 : i32
    %eq3A_3 = arith.cmpi eq, %arg1, %eq3A : i32
    %not3A = arith.constant true
    %not3A_4 = arith.xori %eq3A_3, %not3A : i1
    %convert_element_type3A = arith.extui %not3A_4 : i1 to i32
    %cond3A = arith.constant 0 : i32
    %cond3A_5 = arith.cmpi ne, %convert_element_type3A, %cond3A : i32
    scf.if %cond3A_5 {
      "tpu.region"() ({
        %run_scoped3A = tpu.sem_alloc : memref<!tpu.dma_semaphore, #tpu.memory_space<semaphore_mem>>
        %dma_start3A = arith.constant 0 : i32
        %dma_start3A_48 = tpu.memref_slice %arg12[%mul3A_2, %dma_start3A] : memref<10000x64xf32, #tpu.memory_space<vmem_shared>> -> memref<624x64xf32, #tpu.memory_space<vmem_shared>>
        %dma_start3A_49 = arith.constant 0 : i32
        %dma_start3A_50 = tpu.memref_slice %arg2[%mul3A_2, %dma_start3A_49] : memref<10000x64xf32, #tpu.memory_space<hbm>> -> memref<624x64xf32, #tpu.memory_space<hbm>>
        tpu.enqueue_dma source(%dma_start3A_50 : memref<624x64xf32, #tpu.memory_space<hbm>>) target(%dma_start3A_48 : memref<624x64xf32, #tpu.memory_space<vmem_shared>>) target_semaphore(%run_scoped3A : memref<!tpu.dma_semaphore, #tpu.memory_space<semaphore_mem>>)
        %dma_wait3A = arith.constant 0 : i32
        %dma_wait3A_51 = tpu.memref_slice %arg12[%mul3A_2, %dma_wait3A] : memref<10000x64xf32, #tpu.memory_space<vmem_shared>> -> memref<624x64xf32, #tpu.memory_space<vmem_shared>>
        %dma_wait3A_52 = arith.constant 0 : i32
        %dma_wait3A_53 = tpu.memref_slice %arg2[%mul3A_2, %dma_wait3A_52] : memref<10000x64xf32, #tpu.memory_space<hbm>> -> memref<624x64xf32, #tpu.memory_space<hbm>>
        tpu.wait_dma2 semaphore(%run_scoped3A : memref<!tpu.dma_semaphore, #tpu.memory_space<semaphore_mem>>) src(%dma_wait3A_53 : memref<624x64xf32, #tpu.memory_space<hbm>>) dst(%dma_wait3A_51 : memref<624x64xf32, #tpu.memory_space<vmem_shared>>)
        tpu.yield
      }) : () -> ()
    } else {
    }
    %convert_element_type3A_6 = arith.extui %eq3A_3 : i1 to i32
    %cond3A_7 = arith.constant 0 : i32
    %cond3A_8 = arith.cmpi ne, %convert_element_type3A_6, %cond3A_7 : i32
    scf.if %cond3A_8 {
      "tpu.region"() ({
        %run_scoped3A = tpu.sem_alloc : memref<!tpu.dma_semaphore, #tpu.memory_space<semaphore_mem>>
        %dma_start3A = arith.constant 0 : i32
        %dma_start3A_48 = tpu.memref_slice %arg12[%mul3A_2, %dma_start3A] : memref<10000x64xf32, #tpu.memory_space<vmem_shared>> -> memref<640x64xf32, #tpu.memory_space<vmem_shared>>
        %dma_start3A_49 = arith.constant 0 : i32
        %dma_start3A_50 = tpu.memref_slice %arg2[%mul3A_2, %dma_start3A_49] : memref<10000x64xf32, #tpu.memory_space<hbm>> -> memref<640x64xf32, #tpu.memory_space<hbm>>
        tpu.enqueue_dma source(%dma_start3A_50 : memref<640x64xf32, #tpu.memory_space<hbm>>) target(%dma_start3A_48 : memref<640x64xf32, #tpu.memory_space<vmem_shared>>) target_semaphore(%run_scoped3A : memref<!tpu.dma_semaphore, #tpu.memory_space<semaphore_mem>>)
        %dma_wait3A = arith.constant 0 : i32
        %dma_wait3A_51 = tpu.memref_slice %arg12[%mul3A_2, %dma_wait3A] : memref<10000x64xf32, #tpu.memory_space<vmem_shared>> -> memref<640x64xf32, #tpu.memory_space<vmem_shared>>
        %dma_wait3A_52 = arith.constant 0 : i32
        %dma_wait3A_53 = tpu.memref_slice %arg2[%mul3A_2, %dma_wait3A_52] : memref<10000x64xf32, #tpu.memory_space<hbm>> -> memref<640x64xf32, #tpu.memory_space<hbm>>
        tpu.wait_dma2 semaphore(%run_scoped3A : memref<!tpu.dma_semaphore, #tpu.memory_space<semaphore_mem>>) src(%dma_wait3A_53 : memref<640x64xf32, #tpu.memory_space<hbm>>) dst(%dma_wait3A_51 : memref<640x64xf32, #tpu.memory_space<vmem_shared>>)
        tpu.yield
      }) : () -> ()
    } else {
    }
    %eq3A_9 = arith.constant 0 : i32
    %eq3A_10 = arith.cmpi eq, %arg0, %eq3A_9 : i32
    %not3A_11 = arith.constant true
    %not3A_12 = arith.xori %eq3A_3, %not3A_11 : i1
    %and3A = arith.andi %eq3A_10, %not3A_12 : i1
    %convert_element_type3A_13 = arith.extui %and3A : i1 to i32
    %cond3A_14 = arith.constant 0 : i32
    %cond3A_15 = arith.cmpi ne, %convert_element_type3A_13, %cond3A_14 : i32
    scf.if %cond3A_15 {
      "tpu.region"() ({
        %run_scoped3A = tpu.sem_alloc : memref<!tpu.dma_semaphore, #tpu.memory_space<semaphore_mem>>
        %dma_start3A = arith.constant 0 : i32
        %dma_start3A_48 = tpu.memref_slice %arg11[%mul3A_2, %dma_start3A] : memref<10016x64xf32, #tpu.memory_space<vmem_shared>> -> memref<624x64xf32, #tpu.memory_space<vmem_shared>>
        %dma_start3A_49 = arith.constant 0 : i32
        %dma_start3A_50 = tpu.memref_slice %arg12[%mul3A_2, %dma_start3A_49] : memref<10000x64xf32, #tpu.memory_space<vmem_shared>> -> memref<624x64xf32, #tpu.memory_space<vmem_shared>>
        tpu.enqueue_dma source(%dma_start3A_50 : memref<624x64xf32, #tpu.memory_space<vmem_shared>>) target(%dma_start3A_48 : memref<624x64xf32, #tpu.memory_space<vmem_shared>>) target_semaphore(%run_scoped3A : memref<!tpu.dma_semaphore, #tpu.memory_space<semaphore_mem>>)
        %dma_wait3A = arith.constant 0 : i32
        %dma_wait3A_51 = tpu.memref_slice %arg11[%mul3A_2, %dma_wait3A] : memref<10016x64xf32, #tpu.memory_space<vmem_shared>> -> memref<624x64xf32, #tpu.memory_space<vmem_shared>>
        %dma_wait3A_52 = arith.constant 0 : i32
        %dma_wait3A_53 = tpu.memref_slice %arg12[%mul3A_2, %dma_wait3A_52] : memref<10000x64xf32, #tpu.memory_space<vmem_shared>> -> memref<624x64xf32, #tpu.memory_space<vmem_shared>>
        tpu.wait_dma2 semaphore(%run_scoped3A : memref<!tpu.dma_semaphore, #tpu.memory_space<semaphore_mem>>) src(%dma_wait3A_53 : memref<624x64xf32, #tpu.memory_space<vmem_shared>>) dst(%dma_wait3A_51 : memref<624x64xf32, #tpu.memory_space<vmem_shared>>)
        tpu.yield
      }) : () -> ()
    } else {
    }
    %eq3A_16 = arith.constant 0 : i32
    %eq3A_17 = arith.cmpi eq, %arg0, %eq3A_16 : i32
    %and3A_18 = arith.andi %eq3A_17, %eq3A_3 : i1
    %convert_element_type3A_19 = arith.extui %and3A_18 : i1 to i32
    %cond3A_20 = arith.constant 0 : i32
    %cond3A_21 = arith.cmpi ne, %convert_element_type3A_19, %cond3A_20 : i32
    scf.if %cond3A_21 {
      "tpu.region"() ({
        %run_scoped3A = tpu.sem_alloc : memref<!tpu.dma_semaphore, #tpu.memory_space<semaphore_mem>>
        %dma_start3A = arith.constant 0 : i32
        %dma_start3A_48 = tpu.memref_slice %arg11[%mul3A_2, %dma_start3A] : memref<10016x64xf32, #tpu.memory_space<vmem_shared>> -> memref<640x64xf32, #tpu.memory_space<vmem_shared>>
        %dma_start3A_49 = arith.constant 0 : i32
        %dma_start3A_50 = tpu.memref_slice %arg12[%mul3A_2, %dma_start3A_49] : memref<10000x64xf32, #tpu.memory_space<vmem_shared>> -> memref<640x64xf32, #tpu.memory_space<vmem_shared>>
        tpu.enqueue_dma source(%dma_start3A_50 : memref<640x64xf32, #tpu.memory_space<vmem_shared>>) target(%dma_start3A_48 : memref<640x64xf32, #tpu.memory_space<vmem_shared>>) target_semaphore(%run_scoped3A : memref<!tpu.dma_semaphore, #tpu.memory_space<semaphore_mem>>)
        %dma_wait3A = arith.constant 0 : i32
        %dma_wait3A_51 = tpu.memref_slice %arg11[%mul3A_2, %dma_wait3A] : memref<10016x64xf32, #tpu.memory_space<vmem_shared>> -> memref<640x64xf32, #tpu.memory_space<vmem_shared>>
        %dma_wait3A_52 = arith.constant 0 : i32
        %dma_wait3A_53 = tpu.memref_slice %arg12[%mul3A_2, %dma_wait3A_52] : memref<10000x64xf32, #tpu.memory_space<vmem_shared>> -> memref<640x64xf32, #tpu.memory_space<vmem_shared>>
        tpu.wait_dma2 semaphore(%run_scoped3A : memref<!tpu.dma_semaphore, #tpu.memory_space<semaphore_mem>>) src(%dma_wait3A_53 : memref<640x64xf32, #tpu.memory_space<vmem_shared>>) dst(%dma_wait3A_51 : memref<640x64xf32, #tpu.memory_space<vmem_shared>>)
        tpu.yield
      }) : () -> ()
    } else {
    }
    %ne3A = arith.constant 0 : i32
    %ne3A_22 = arith.cmpi ne, %arg0, %ne3A : i32
    %not3A_23 = arith.constant true
    %not3A_24 = arith.xori %eq3A_3, %not3A_23 : i1
    %and3A_25 = arith.andi %ne3A_22, %not3A_24 : i1
    %convert_element_type3A_26 = arith.extui %and3A_25 : i1 to i32
    %cond3A_27 = arith.constant 0 : i32
    %cond3A_28 = arith.cmpi ne, %convert_element_type3A_26, %cond3A_27 : i32
    scf.if %cond3A_28 {
      "tpu.region"() ({
        %run_scoped3A = tpu.sem_alloc : memref<!tpu.dma_semaphore, #tpu.memory_space<semaphore_mem>>
        %dma_start3A = arith.constant 0 : i32
        %dma_start3A_48 = tpu.memref_slice %arg11[%mul3A_2, %dma_start3A] : memref<10016x64xf32, #tpu.memory_space<vmem_shared>> -> memref<624x64xf32, #tpu.memory_space<vmem_shared>>
        %dma_start3A_49 = arith.constant 0 : i32
        %dma_start3A_50 = arith.constant 0 : i32
        %dma_start3A_51 = tpu.memref_slice %arg5[%dma_start3A_49, %dma_start3A_50] : memref<640x64xf32, #tpu.memory_space<hbm>> -> memref<624x64xf32, #tpu.memory_space<hbm>>
        tpu.enqueue_dma source(%dma_start3A_51 : memref<624x64xf32, #tpu.memory_space<hbm>>) target(%dma_start3A_48 : memref<624x64xf32, #tpu.memory_space<vmem_shared>>) target_semaphore(%run_scoped3A : memref<!tpu.dma_semaphore, #tpu.memory_space<semaphore_mem>>)
        %dma_wait3A = arith.constant 0 : i32
        %dma_wait3A_52 = tpu.memref_slice %arg11[%mul3A_2, %dma_wait3A] : memref<10016x64xf32, #tpu.memory_space<vmem_shared>> -> memref<624x64xf32, #tpu.memory_space<vmem_shared>>
        %dma_wait3A_53 = arith.constant 0 : i32
        %dma_wait3A_54 = arith.constant 0 : i32
        %dma_wait3A_55 = tpu.memref_slice %arg5[%dma_wait3A_53, %dma_wait3A_54] : memref<640x64xf32, #tpu.memory_space<hbm>> -> memref<624x64xf32, #tpu.memory_space<hbm>>
        tpu.wait_dma2 semaphore(%run_scoped3A : memref<!tpu.dma_semaphore, #tpu.memory_space<semaphore_mem>>) src(%dma_wait3A_55 : memref<624x64xf32, #tpu.memory_space<hbm>>) dst(%dma_wait3A_52 : memref<624x64xf32, #tpu.memory_space<vmem_shared>>)
        tpu.yield
      }) : () -> ()
    } else {
    }
    %ne3A_29 = arith.constant 0 : i32
    %ne3A_30 = arith.cmpi ne, %arg0, %ne3A_29 : i32
    %and3A_31 = arith.andi %ne3A_30, %eq3A_3 : i1
    %convert_element_type3A_32 = arith.extui %and3A_31 : i1 to i32
    %cond3A_33 = arith.constant 0 : i32
    %cond3A_34 = arith.cmpi ne, %convert_element_type3A_32, %cond3A_33 : i32
    scf.if %cond3A_34 {
      "tpu.region"() ({
        %run_scoped3A = tpu.sem_alloc : memref<!tpu.dma_semaphore, #tpu.memory_space<semaphore_mem>>
        %dma_start3A = arith.constant 0 : i32
        %dma_start3A_48 = tpu.memref_slice %arg11[%mul3A_2, %dma_start3A] : memref<10016x64xf32, #tpu.memory_space<vmem_shared>> -> memref<640x64xf32, #tpu.memory_space<vmem_shared>>
        tpu.enqueue_dma source(%arg5 : memref<640x64xf32, #tpu.memory_space<hbm>>) target(%dma_start3A_48 : memref<640x64xf32, #tpu.memory_space<vmem_shared>>) target_semaphore(%run_scoped3A : memref<!tpu.dma_semaphore, #tpu.memory_space<semaphore_mem>>)
        %dma_wait3A = arith.constant 0 : i32
        %dma_wait3A_49 = tpu.memref_slice %arg11[%mul3A_2, %dma_wait3A] : memref<10016x64xf32, #tpu.memory_space<vmem_shared>> -> memref<640x64xf32, #tpu.memory_space<vmem_shared>>
        tpu.wait_dma2 semaphore(%run_scoped3A : memref<!tpu.dma_semaphore, #tpu.memory_space<semaphore_mem>>) src(%arg5 : memref<640x64xf32, #tpu.memory_space<hbm>>) dst(%dma_wait3A_49 : memref<640x64xf32, #tpu.memory_space<vmem_shared>>)
        tpu.yield
      }) : () -> ()
    } else {
    }
    "tpu.region"() ({
      %run_scoped3A = tpu.sem_alloc : memref<!tpu.dma_semaphore, #tpu.memory_space<semaphore_mem>>
      %dma_start3A = arith.constant 0 : i32
      %dma_start3A_48 = arith.constant 0 : i32
      %dma_start3A_49 = tpu.memref_slice %arg3[%add3A, %dma_start3A, %dma_start3A_48] : memref<32x157x64xi32, #tpu.memory_space<hbm>> -> memref<1x157x64xi32, #tpu.memory_space<hbm>>
      %dma_start3A_50 = tpu.memref_squeeze %dma_start3A_49 : memref<1x157x64xi32, #tpu.memory_space<hbm>> -> memref<157x64xi32, #tpu.memory_space<hbm>>
      %dma_start3A_51 = arith.constant 0 : i32
      %dma_start3A_52 = arith.constant 0 : i32
      %dma_start3A_53 = tpu.memref_slice %arg3[%add3A, %dma_start3A_51, %dma_start3A_52] : memref<32x157x64xi32, #tpu.memory_space<hbm>> -> memref<1x157x64xi32, #tpu.memory_space<hbm>>
      %dma_start3A_54 = tpu.memref_squeeze %dma_start3A_53 : memref<1x157x64xi32, #tpu.memory_space<hbm>> -> memref<157x64xi32, #tpu.memory_space<hbm>>
      tpu.enqueue_dma source(%dma_start3A_54 : memref<157x64xi32, #tpu.memory_space<hbm>>) target(%arg7 : memref<157x64xi32, #tpu.memory_space<vmem>>) target_semaphore(%run_scoped3A : memref<!tpu.dma_semaphore, #tpu.memory_space<semaphore_mem>>)
      %dma_wait3A = arith.constant 0 : i32
      %dma_wait3A_55 = arith.constant 0 : i32
      %dma_wait3A_56 = tpu.memref_slice %arg3[%add3A, %dma_wait3A, %dma_wait3A_55] : memref<32x157x64xi32, #tpu.memory_space<hbm>> -> memref<1x157x64xi32, #tpu.memory_space<hbm>>
      %dma_wait3A_57 = tpu.memref_squeeze %dma_wait3A_56 : memref<1x157x64xi32, #tpu.memory_space<hbm>> -> memref<157x64xi32, #tpu.memory_space<hbm>>
      %dma_wait3A_58 = arith.constant 0 : i32
      %dma_wait3A_59 = arith.constant 0 : i32
      %dma_wait3A_60 = tpu.memref_slice %arg3[%add3A, %dma_wait3A_58, %dma_wait3A_59] : memref<32x157x64xi32, #tpu.memory_space<hbm>> -> memref<1x157x64xi32, #tpu.memory_space<hbm>>
      %dma_wait3A_61 = tpu.memref_squeeze %dma_wait3A_60 : memref<1x157x64xi32, #tpu.memory_space<hbm>> -> memref<157x64xi32, #tpu.memory_space<hbm>>
      tpu.wait_dma2 semaphore(%run_scoped3A : memref<!tpu.dma_semaphore, #tpu.memory_space<semaphore_mem>>) src(%dma_wait3A_61 : memref<157x64xi32, #tpu.memory_space<hbm>>) dst(%arg7 : memref<157x64xi32, #tpu.memory_space<vmem>>)
      tpu.yield
    }) : () -> ()
    "tpu.region"() ({
      %run_scoped3A = tpu.sem_alloc : memref<!tpu.dma_semaphore, #tpu.memory_space<semaphore_mem>>
      %dma_start3A = arith.constant 0 : i32
      %dma_start3A_48 = arith.constant 0 : i32
      %dma_start3A_49 = tpu.memref_slice %arg4[%add3A, %dma_start3A, %dma_start3A_48] : memref<32x157x64xi32, #tpu.memory_space<hbm>> -> memref<1x157x64xi32, #tpu.memory_space<hbm>>
      %dma_start3A_50 = tpu.memref_squeeze %dma_start3A_49 : memref<1x157x64xi32, #tpu.memory_space<hbm>> -> memref<157x64xi32, #tpu.memory_space<hbm>>
      %dma_start3A_51 = arith.constant 0 : i32
      %dma_start3A_52 = arith.constant 0 : i32
      %dma_start3A_53 = tpu.memref_slice %arg4[%add3A, %dma_start3A_51, %dma_start3A_52] : memref<32x157x64xi32, #tpu.memory_space<hbm>> -> memref<1x157x64xi32, #tpu.memory_space<hbm>>
      %dma_start3A_54 = tpu.memref_squeeze %dma_start3A_53 : memref<1x157x64xi32, #tpu.memory_space<hbm>> -> memref<157x64xi32, #tpu.memory_space<hbm>>
      tpu.enqueue_dma source(%dma_start3A_54 : memref<157x64xi32, #tpu.memory_space<hbm>>) target(%arg8 : memref<157x64xi32, #tpu.memory_space<vmem>>) target_semaphore(%run_scoped3A : memref<!tpu.dma_semaphore, #tpu.memory_space<semaphore_mem>>)
      %dma_wait3A = arith.constant 0 : i32
      %dma_wait3A_55 = arith.constant 0 : i32
      %dma_wait3A_56 = tpu.memref_slice %arg4[%add3A, %dma_wait3A, %dma_wait3A_55] : memref<32x157x64xi32, #tpu.memory_space<hbm>> -> memref<1x157x64xi32, #tpu.memory_space<hbm>>
      %dma_wait3A_57 = tpu.memref_squeeze %dma_wait3A_56 : memref<1x157x64xi32, #tpu.memory_space<hbm>> -> memref<157x64xi32, #tpu.memory_space<hbm>>
      %dma_wait3A_58 = arith.constant 0 : i32
      %dma_wait3A_59 = arith.constant 0 : i32
      %dma_wait3A_60 = tpu.memref_slice %arg4[%add3A, %dma_wait3A_58, %dma_wait3A_59] : memref<32x157x64xi32, #tpu.memory_space<hbm>> -> memref<1x157x64xi32, #tpu.memory_space<hbm>>
      %dma_wait3A_61 = tpu.memref_squeeze %dma_wait3A_60 : memref<1x157x64xi32, #tpu.memory_space<hbm>> -> memref<157x64xi32, #tpu.memory_space<hbm>>
      tpu.wait_dma2 semaphore(%run_scoped3A : memref<!tpu.dma_semaphore, #tpu.memory_space<semaphore_mem>>) src(%dma_wait3A_61 : memref<157x64xi32, #tpu.memory_space<hbm>>) dst(%arg8 : memref<157x64xi32, #tpu.memory_space<vmem>>)
      tpu.yield
    }) : () -> ()
    %barrier3A = arith.constant 0 : index
    tpu.barrier barrier_id(%barrier3A)
    %scan3A = arith.constant 0 : i32
    %scan3A_35 = arith.constant 157 : i32
    %scan3A_36 = arith.addi %scan3A, %scan3A_35 : i32
    %scan3A_37 = arith.constant 1 : i32
    scf.for %scan3A_48 = %scan3A to %scan3A_36 step %scan3A_37  : i32 {
      %mul3A_49 = arith.constant 1 : i32
      %mul3A_50 = arith.muli %scan3A_48, %mul3A_49 : i32
      %add3A_51 = arith.constant 0 : i32
      %add3A_52 = arith.addi %add3A_51, %mul3A_50 : i32
      "tpu.region"() ({
        %run_scoped3A = tpu.sem_alloc : memref<!tpu.dma_semaphore, #tpu.memory_space<semaphore_mem>>
        %dma_start3A = arith.constant 0 : i32
        %dma_start3A_53 = tpu.memref_slice %arg7[%add3A_52, %dma_start3A] : memref<157x64xi32, #tpu.memory_space<vmem>> -> memref<1x64xi32, #tpu.memory_space<vmem>>
        %dma_start3A_54 = tpu.memref_squeeze %dma_start3A_53 : memref<1x64xi32, #tpu.memory_space<vmem>> -> memref<64xi32, #tpu.memory_space<vmem>>
        %dma_start3A_55 = arith.constant 0 : i32
        %dma_start3A_56 = arith.constant 0 : i32
        %dma_start3A_57 = tpu.memref_slice %arg12[%dma_start3A_55, %dma_start3A_56] : memref<10000x64xf32, #tpu.memory_space<vmem_shared>> -> memref<10000x64xf32, #tpu.memory_space<vmem_shared>>
        tpu.enqueue_indirect_dma source(%dma_start3A_57 : memref<10000x64xf32, #tpu.memory_space<vmem_shared>>) target(%arg9 : memref<64x64xf32, #tpu.memory_space<vmem>>) offsets(%dma_start3A_54 : memref<64xi32, #tpu.memory_space<vmem>>) semaphore(%run_scoped3A : memref<!tpu.dma_semaphore, #tpu.memory_space<semaphore_mem>>)
        %dma_wait3A = arith.constant 0 : i32
        %dma_wait3A_58 = tpu.memref_slice %arg7[%add3A_52, %dma_wait3A] : memref<157x64xi32, #tpu.memory_space<vmem>> -> memref<1x64xi32, #tpu.memory_space<vmem>>
        %dma_wait3A_59 = tpu.memref_squeeze %dma_wait3A_58 : memref<1x64xi32, #tpu.memory_space<vmem>> -> memref<64xi32, #tpu.memory_space<vmem>>
        %dma_wait3A_60 = arith.constant 0 : i32
        %dma_wait3A_61 = arith.constant 0 : i32
        %dma_wait3A_62 = tpu.memref_slice %arg12[%dma_wait3A_60, %dma_wait3A_61] : memref<10000x64xf32, #tpu.memory_space<vmem_shared>> -> memref<10000x64xf32, #tpu.memory_space<vmem_shared>>
        tpu.wait_indirect_dma semaphore(%run_scoped3A : memref<!tpu.dma_semaphore, #tpu.memory_space<semaphore_mem>>) src(%dma_wait3A_62 : memref<10000x64xf32, #tpu.memory_space<vmem_shared>>) dst(%arg9 : memref<64x64xf32, #tpu.memory_space<vmem>>)
        tpu.yield
      }) : () -> ()
      "tpu.region"() ({
        %run_scoped3A = tpu.sem_alloc : memref<!tpu.dma_semaphore, #tpu.memory_space<semaphore_mem>>
        %dma_start3A = arith.constant 0 : i32
        %dma_start3A_53 = tpu.memref_slice %arg8[%add3A_52, %dma_start3A] : memref<157x64xi32, #tpu.memory_space<vmem>> -> memref<1x64xi32, #tpu.memory_space<vmem>>
        %dma_start3A_54 = tpu.memref_squeeze %dma_start3A_53 : memref<1x64xi32, #tpu.memory_space<vmem>> -> memref<64xi32, #tpu.memory_space<vmem>>
        %dma_start3A_55 = arith.constant 0 : i32
        %dma_start3A_56 = arith.constant 0 : i32
        %dma_start3A_57 = tpu.memref_slice %arg11[%dma_start3A_55, %dma_start3A_56] : memref<10016x64xf32, #tpu.memory_space<vmem_shared>> -> memref<10016x64xf32, #tpu.memory_space<vmem_shared>>
        tpu.enqueue_indirect_dma source(%arg9 : memref<64x64xf32, #tpu.memory_space<vmem>>) target(%dma_start3A_57 : memref<10016x64xf32, #tpu.memory_space<vmem_shared>>) offsets(%dma_start3A_54 : memref<64xi32, #tpu.memory_space<vmem>>) semaphore(%run_scoped3A : memref<!tpu.dma_semaphore, #tpu.memory_space<semaphore_mem>>) {add = true}
        %dma_wait3A = arith.constant 0 : i32
        %dma_wait3A_58 = tpu.memref_slice %arg8[%add3A_52, %dma_wait3A] : memref<157x64xi32, #tpu.memory_space<vmem>> -> memref<1x64xi32, #tpu.memory_space<vmem>>
        %dma_wait3A_59 = tpu.memref_squeeze %dma_wait3A_58 : memref<1x64xi32, #tpu.memory_space<vmem>> -> memref<64xi32, #tpu.memory_space<vmem>>
        %dma_wait3A_60 = arith.constant 0 : i32
        %dma_wait3A_61 = arith.constant 0 : i32
        %dma_wait3A_62 = tpu.memref_slice %arg11[%dma_wait3A_60, %dma_wait3A_61] : memref<10016x64xf32, #tpu.memory_space<vmem_shared>> -> memref<10016x64xf32, #tpu.memory_space<vmem_shared>>
        tpu.wait_indirect_dma semaphore(%run_scoped3A : memref<!tpu.dma_semaphore, #tpu.memory_space<semaphore_mem>>) src(%arg9 : memref<64x64xf32, #tpu.memory_space<vmem>>) dst(%dma_wait3A_62 : memref<10016x64xf32, #tpu.memory_space<vmem_shared>>)
        tpu.yield
      }) : () -> ()
    }
    %scan3A_38 = arith.constant 157 : i32
    %barrier3A_39 = arith.constant 0 : index
    tpu.barrier barrier_id(%barrier3A_39)
    %not3A_40 = arith.constant true
    %not3A_41 = arith.xori %eq3A_3, %not3A_40 : i1
    %convert_element_type3A_42 = arith.extui %not3A_41 : i1 to i32
    %cond3A_43 = arith.constant 0 : i32
    %cond3A_44 = arith.cmpi ne, %convert_element_type3A_42, %cond3A_43 : i32
    scf.if %cond3A_44 {
      "tpu.region"() ({
        %run_scoped3A = tpu.sem_alloc : memref<!tpu.dma_semaphore, #tpu.memory_space<semaphore_mem>>
        %dma_start3A = arith.constant 0 : i32
        %dma_start3A_48 = tpu.memref_slice %arg6[%arg0, %mul3A_2, %dma_start3A] : memref<2x10000x64xf32, #tpu.memory_space<hbm>> -> memref<1x624x64xf32, #tpu.memory_space<hbm>>
        %dma_start3A_49 = tpu.memref_squeeze %dma_start3A_48 : memref<1x624x64xf32, #tpu.memory_space<hbm>> -> memref<624x64xf32, #tpu.memory_space<hbm>>
        %dma_start3A_50 = arith.constant 0 : i32
        %dma_start3A_51 = tpu.memref_slice %arg11[%mul3A_2, %dma_start3A_50] : memref<10016x64xf32, #tpu.memory_space<vmem_shared>> -> memref<624x64xf32, #tpu.memory_space<vmem_shared>>
        tpu.enqueue_dma source(%dma_start3A_51 : memref<624x64xf32, #tpu.memory_space<vmem_shared>>) target(%dma_start3A_49 : memref<624x64xf32, #tpu.memory_space<hbm>>) target_semaphore(%run_scoped3A : memref<!tpu.dma_semaphore, #tpu.memory_space<semaphore_mem>>)
        %dma_wait3A = arith.constant 0 : i32
        %dma_wait3A_52 = tpu.memref_slice %arg6[%arg0, %mul3A_2, %dma_wait3A] : memref<2x10000x64xf32, #tpu.memory_space<hbm>> -> memref<1x624x64xf32, #tpu.memory_space<hbm>>
        %dma_wait3A_53 = tpu.memref_squeeze %dma_wait3A_52 : memref<1x624x64xf32, #tpu.memory_space<hbm>> -> memref<624x64xf32, #tpu.memory_space<hbm>>
        %dma_wait3A_54 = arith.constant 0 : i32
        %dma_wait3A_55 = tpu.memref_slice %arg11[%mul3A_2, %dma_wait3A_54] : memref<10016x64xf32, #tpu.memory_space<vmem_shared>> -> memref<624x64xf32, #tpu.memory_space<vmem_shared>>
        tpu.wait_dma2 semaphore(%run_scoped3A : memref<!tpu.dma_semaphore, #tpu.memory_space<semaphore_mem>>) src(%dma_wait3A_55 : memref<624x64xf32, #tpu.memory_space<vmem_shared>>) dst(%dma_wait3A_53 : memref<624x64xf32, #tpu.memory_space<hbm>>)
        tpu.yield
      }) : () -> ()
    } else {
    }
    %convert_element_type3A_45 = arith.extui %eq3A_3 : i1 to i32
    %cond3A_46 = arith.constant 0 : i32
    %cond3A_47 = arith.cmpi ne, %convert_element_type3A_45, %cond3A_46 : i32
    scf.if %cond3A_47 {
      "tpu.region"() ({
        %run_scoped3A = tpu.sem_alloc : memref<!tpu.dma_semaphore, #tpu.memory_space<semaphore_mem>>
        %dma_start3A = arith.constant 0 : i32
        %dma_start3A_48 = tpu.memref_slice %arg6[%arg0, %mul3A_2, %dma_start3A] : memref<2x10000x64xf32, #tpu.memory_space<hbm>> -> memref<1x640x64xf32, #tpu.memory_space<hbm>>
        %dma_start3A_49 = tpu.memref_squeeze %dma_start3A_48 : memref<1x640x64xf32, #tpu.memory_space<hbm>> -> memref<640x64xf32, #tpu.memory_space<hbm>>
        %dma_start3A_50 = arith.constant 0 : i32
        %dma_start3A_51 = tpu.memref_slice %arg11[%mul3A_2, %dma_start3A_50] : memref<10016x64xf32, #tpu.memory_space<vmem_shared>> -> memref<640x64xf32, #tpu.memory_space<vmem_shared>>
        tpu.enqueue_dma source(%dma_start3A_51 : memref<640x64xf32, #tpu.memory_space<vmem_shared>>) target(%dma_start3A_49 : memref<640x64xf32, #tpu.memory_space<hbm>>) target_semaphore(%run_scoped3A : memref<!tpu.dma_semaphore, #tpu.memory_space<semaphore_mem>>)
        %dma_wait3A = arith.constant 0 : i32
        %dma_wait3A_52 = tpu.memref_slice %arg6[%arg0, %mul3A_2, %dma_wait3A] : memref<2x10000x64xf32, #tpu.memory_space<hbm>> -> memref<1x640x64xf32, #tpu.memory_space<hbm>>
        %dma_wait3A_53 = tpu.memref_squeeze %dma_wait3A_52 : memref<1x640x64xf32, #tpu.memory_space<hbm>> -> memref<640x64xf32, #tpu.memory_space<hbm>>
        %dma_wait3A_54 = arith.constant 0 : i32
        %dma_wait3A_55 = tpu.memref_slice %arg11[%mul3A_2, %dma_wait3A_54] : memref<10016x64xf32, #tpu.memory_space<vmem_shared>> -> memref<640x64xf32, #tpu.memory_space<vmem_shared>>
        tpu.wait_dma2 semaphore(%run_scoped3A : memref<!tpu.dma_semaphore, #tpu.memory_space<semaphore_mem>>) src(%dma_wait3A_55 : memref<640x64xf32, #tpu.memory_space<vmem_shared>>) dst(%dma_wait3A_53 : memref<640x64xf32, #tpu.memory_space<hbm>>)
        tpu.yield
      }) : () -> ()
    } else {
    }
    return
  }
}

module attributes {stable_mosaic.version = 14 : i64} {
  func.func @body(%arg0: i32, %arg1: memref<2000x128xf32, #tpu.memory_space<vmem>>, %arg2: memref<128x64xf32, #tpu.memory_space<vmem>>, %arg3: memref<2000x64xf32, #tpu.memory_space<vmem>>) attributes {dimension_semantics = [#tpu.dimension_semantics<arbitrary>], iteration_bounds = array<i64: 5>, scalar_prefetch = 0 : i64, scratch_operands = 0 : i64, tpu.core_type = #tpu.core_type<tc>, window_params = [{transform_indices = @transform_0, window_bounds = array<i64: 2000, 128>}, {pipeline_mode = #tpu.pipeline_mode<synchronous>, transform_indices = @transform_1, window_bounds = array<i64: 128, 64>}, {transform_indices = @transform_2, window_bounds = array<i64: 2000, 64>}]} {
    %get3A = arith.constant 0 : index
    %get3A_0 = arith.constant 0 : index
    %get3A_1 = vector.load %arg1[%get3A, %get3A_0] : memref<2000x128xf32, #tpu.memory_space<vmem>>, vector<2000x128xf32>
    %get3A_2 = arith.constant 0 : index
    %get3A_3 = arith.constant 0 : index
    %get3A_4 = vector.load %arg2[%get3A_2, %get3A_3] : memref<128x64xf32, #tpu.memory_space<vmem>>, vector<128x64xf32>
    %dot_general3A = arith.constant dense<0.000000e+00> : vector<2000x64xf32>
    %dot_general3A_5 = tpu.matmul %get3A_1, %get3A_4, %dot_general3A {dimension_numbers = #tpu.dot_dimension_numbers<[1], [0], [0], [1], [0, 0, 1, 1], [], []>, transpose_lhs_hint = false} : vector<2000x128xf32>, vector<128x64xf32>, vector<2000x64xf32> -> vector<2000x64xf32>
    %swap3A = arith.constant 0 : index
    %swap3A_6 = arith.constant 0 : index
    %swap3A_7 = vector.load %arg3[%swap3A, %swap3A_6] : memref<2000x64xf32, #tpu.memory_space<vmem>>, vector<2000x64xf32>
    tpu.vector_store %arg3[%swap3A, %swap3A_6], %dot_general3A_5 {strides = array<i32>} : memref<2000x64xf32, #tpu.memory_space<vmem>>, vector<2000x64xf32>,
    return
  }
  func.func @transform_0(%arg0: i32) -> (i32, i32) {
    %c0_i32 = arith.constant 0 : i32
    %c0_i32_0 = arith.constant 0 : i32
    return %arg0, %c0_i32 : i32, i32
  }
  func.func @transform_1(%arg0: i32) -> (i32, i32) {
    %c0_i32 = arith.constant 0 : i32
    %c0_i32_0 = arith.constant 0 : i32
    %c0_i32_1 = arith.constant 0 : i32
    return %c0_i32, %c0_i32_0 : i32, i32
  }
  func.func @transform_2(%arg0: i32) -> (i32, i32) {
    %c0_i32 = arith.constant 0 : i32
    %c0_i32_0 = arith.constant 0 : i32
    return %arg0, %c0_i32 : i32, i32
  }
}

module attributes {stable_mosaic.version = 14 : i64} {
  func.func @body(%arg0: i32, %arg1: memref<2x2000x64xf32, #tpu.memory_space<vmem>>, %arg2: memref<1x64xf32, #tpu.memory_space<vmem>>, %arg3: memref<2000x64xf32, #tpu.memory_space<vmem>>) attributes {dimension_semantics = [#tpu.dimension_semantics<arbitrary>], iteration_bounds = array<i64: 5>, scalar_prefetch = 0 : i64, scratch_operands = 0 : i64, tpu.core_type = #tpu.core_type<tc>, window_params = [{transform_indices = @transform_0, window_bounds = array<i64: 2, 2000, 64>}, {pipeline_mode = #tpu.pipeline_mode<synchronous>, transform_indices = @transform_1, window_bounds = array<i64: 1, 64>}, {transform_indices = @transform_2, window_bounds = array<i64: 2000, 64>}]} {
    %get3A = arith.constant 0 : index
    %get3A_0 = arith.constant 0 : index
    %get3A_1 = arith.constant 0 : index
    %get3A_2 = vector.load %arg1[%get3A, %get3A_0, %get3A_1] : memref<2x2000x64xf32, #tpu.memory_space<vmem>>, vector<1x2000x64xf32>
    %get3A_3 = vector.shape_cast %get3A_2 : vector<1x2000x64xf32> to vector<2000x64xf32>
    %get3A_4 = arith.constant 1 : index
    %get3A_5 = arith.constant 0 : index
    %get3A_6 = arith.constant 0 : index
    %get3A_7 = vector.load %arg1[%get3A_4, %get3A_5, %get3A_6] : memref<2x2000x64xf32, #tpu.memory_space<vmem>>, vector<1x2000x64xf32>
    %get3A_8 = vector.shape_cast %get3A_7 : vector<1x2000x64xf32> to vector<2000x64xf32>
    %add3A = arith.addf %get3A_3, %get3A_8 : vector<2000x64xf32>
    %get3A_9 = arith.constant 0 : index
    %get3A_10 = arith.constant 0 : index
    %get3A_11 = vector.load %arg2[%get3A_9, %get3A_10] : memref<1x64xf32, #tpu.memory_space<vmem>>, vector<1x64xf32>
    %add3A_12 = vector.broadcast %get3A_11 : vector<1x64xf32> to vector<2000x64xf32>
    %add3A_13 = arith.addf %add3A, %add3A_12 : vector<2000x64xf32>
    %max3A = arith.constant 0.000000e+00 : f32
    %max3A_14 = vector.broadcast %max3A : f32 to vector<2000x64xf32>
    %max3A_15 = arith.maximumf %add3A_13, %max3A_14 : vector<2000x64xf32>
    %swap3A = arith.constant 0 : index
    %swap3A_16 = arith.constant 0 : index
    %swap3A_17 = vector.load %arg3[%swap3A, %swap3A_16] : memref<2000x64xf32, #tpu.memory_space<vmem>>, vector<2000x64xf32>
    tpu.vector_store %arg3[%swap3A, %swap3A_16], %max3A_15 {strides = array<i32>} : memref<2000x64xf32, #tpu.memory_space<vmem>>, vector<2000x64xf32>,
    return
  }
  func.func @transform_0(%arg0: i32) -> (i32, i32, i32) {
    %c0_i32 = arith.constant 0 : i32
    %c0_i32_0 = arith.constant 0 : i32
    %c0_i32_1 = arith.constant 0 : i32
    return %c0_i32, %arg0, %c0_i32_0 : i32, i32, i32
  }
  func.func @transform_1(%arg0: i32) -> (i32, i32) {
    %c0_i32 = arith.constant 0 : i32
    %c0_i32_0 = arith.constant 0 : i32
    %c0_i32_1 = arith.constant 0 : i32
    return %c0_i32, %c0_i32_0 : i32, i32
  }
  func.func @transform_2(%arg0: i32) -> (i32, i32) {
    %c0_i32 = arith.constant 0 : i32
    %c0_i32_0 = arith.constant 0 : i32
    return %arg0, %c0_i32 : i32, i32
  }
}

module attributes {stable_mosaic.version = 14 : i64} {
  func.func @body(%arg0: i32, %arg1: memref<2x2000x64xf32, #tpu.memory_space<vmem>>, %arg2: memref<64x128xf32, #tpu.memory_space<vmem>>, %arg3: memref<1x128xf32, #tpu.memory_space<vmem>>, %arg4: memref<128x64xf32, #tpu.memory_space<vmem>>, %arg5: memref<2000x64xf32, #tpu.memory_space<vmem>>) attributes {dimension_semantics = [#tpu.dimension_semantics<arbitrary>], iteration_bounds = array<i64: 5>, scalar_prefetch = 0 : i64, scratch_operands = 0 : i64, tpu.core_type = #tpu.core_type<tc>, window_params = [{transform_indices = @transform_0, window_bounds = array<i64: 2, 2000, 64>}, {pipeline_mode = #tpu.pipeline_mode<synchronous>, transform_indices = @transform_1, window_bounds = array<i64: 64, 128>}, {pipeline_mode = #tpu.pipeline_mode<synchronous>, transform_indices = @transform_2, window_bounds = array<i64: 1, 128>}, {pipeline_mode = #tpu.pipeline_mode<synchronous>, transform_indices = @transform_3, window_bounds = array<i64: 128, 64>}, {transform_indices = @transform_4, window_bounds = array<i64: 2000, 64>}]} {
    %get3A = arith.constant 0 : index
    %get3A_0 = arith.constant 0 : index
    %get3A_1 = arith.constant 0 : index
    %get3A_2 = vector.load %arg1[%get3A, %get3A_0, %get3A_1] : memref<2x2000x64xf32, #tpu.memory_space<vmem>>, vector<1x2000x64xf32>
    %get3A_3 = vector.shape_cast %get3A_2 : vector<1x2000x64xf32> to vector<2000x64xf32>
    %get3A_4 = arith.constant 1 : index
    %get3A_5 = arith.constant 0 : index
    %get3A_6 = arith.constant 0 : index
    %get3A_7 = vector.load %arg1[%get3A_4, %get3A_5, %get3A_6] : memref<2x2000x64xf32, #tpu.memory_space<vmem>>, vector<1x2000x64xf32>
    %get3A_8 = vector.shape_cast %get3A_7 : vector<1x2000x64xf32> to vector<2000x64xf32>
    %add3A = arith.addf %get3A_3, %get3A_8 : vector<2000x64xf32>
    %get3A_9 = arith.constant 0 : index
    %get3A_10 = arith.constant 0 : index
    %get3A_11 = vector.load %arg2[%get3A_9, %get3A_10] : memref<64x128xf32, #tpu.memory_space<vmem>>, vector<64x128xf32>
    %dot_general3A = arith.constant dense<0.000000e+00> : vector<2000x128xf32>
    %dot_general3A_12 = tpu.matmul %add3A, %get3A_11, %dot_general3A {dimension_numbers = #tpu.dot_dimension_numbers<[1], [0], [0], [1], [0, 0, 1, 1], [], []>, transpose_lhs_hint = false} : vector<2000x64xf32>, vector<64x128xf32>, vector<2000x128xf32> -> vector<2000x128xf32>
    %get3A_13 = arith.constant 0 : index
    %get3A_14 = arith.constant 0 : index
    %get3A_15 = vector.load %arg3[%get3A_13, %get3A_14] : memref<1x128xf32, #tpu.memory_space<vmem>>, vector<1x128xf32>
    %add3A_16 = vector.broadcast %get3A_15 : vector<1x128xf32> to vector<2000x128xf32>
    %add3A_17 = arith.addf %dot_general3A_12, %add3A_16 : vector<2000x128xf32>
    %max3A = arith.constant 0.000000e+00 : f32
    %max3A_18 = vector.broadcast %max3A : f32 to vector<2000x128xf32>
    %max3A_19 = arith.maximumf %add3A_17, %max3A_18 : vector<2000x128xf32>
    %get3A_20 = arith.constant 0 : index
    %get3A_21 = arith.constant 0 : index
    %get3A_22 = vector.load %arg4[%get3A_20, %get3A_21] : memref<128x64xf32, #tpu.memory_space<vmem>>, vector<128x64xf32>
    %dot_general3A_23 = arith.constant dense<0.000000e+00> : vector<2000x64xf32>
    %dot_general3A_24 = tpu.matmul %max3A_19, %get3A_22, %dot_general3A_23 {dimension_numbers = #tpu.dot_dimension_numbers<[1], [0], [0], [1], [0, 0, 1, 1], [], []>, transpose_lhs_hint = false} : vector<2000x128xf32>, vector<128x64xf32>, vector<2000x64xf32> -> vector<2000x64xf32>
    %swap3A = arith.constant 0 : index
    %swap3A_25 = arith.constant 0 : index
    %swap3A_26 = vector.load %arg5[%swap3A, %swap3A_25] : memref<2000x64xf32, #tpu.memory_space<vmem>>, vector<2000x64xf32>
    tpu.vector_store %arg5[%swap3A, %swap3A_25], %dot_general3A_24 {strides = array<i32>} : memref<2000x64xf32, #tpu.memory_space<vmem>>, vector<2000x64xf32>,
    return
  }
  func.func @transform_0(%arg0: i32) -> (i32, i32, i32) {
    %c0_i32 = arith.constant 0 : i32
    %c0_i32_0 = arith.constant 0 : i32
    %c0_i32_1 = arith.constant 0 : i32
    return %c0_i32, %arg0, %c0_i32_0 : i32, i32, i32
  }
  func.func @transform_1(%arg0: i32) -> (i32, i32) {
    %c0_i32 = arith.constant 0 : i32
    %c0_i32_0 = arith.constant 0 : i32
    %c0_i32_1 = arith.constant 0 : i32
    return %c0_i32, %c0_i32_0 : i32, i32
  }
  func.func @transform_2(%arg0: i32) -> (i32, i32) {
    %c0_i32 = arith.constant 0 : i32
    %c0_i32_0 = arith.constant 0 : i32
    %c0_i32_1 = arith.constant 0 : i32
    return %c0_i32, %c0_i32_0 : i32, i32
  }
  func.func @transform_3(%arg0: i32) -> (i32, i32) {
    %c0_i32 = arith.constant 0 : i32
    %c0_i32_0 = arith.constant 0 : i32
    %c0_i32_1 = arith.constant 0 : i32
    return %c0_i32, %c0_i32_0 : i32, i32
  }
  func.func @transform_4(%arg0: i32) -> (i32, i32) {
    %c0_i32 = arith.constant 0 : i32
    %c0_i32_0 = arith.constant 0 : i32
    return %arg0, %c0_i32 : i32, i32
  }
}

module attributes {stable_mosaic.version = 14 : i64} {
  func.func @body(%arg0: i32, %arg1: memref<2x1000x64xf32, #tpu.memory_space<vmem>>, %arg2: memref<1x64xf32, #tpu.memory_space<vmem>>, %arg3: memref<1x1x1000xi32, #tpu.memory_space<vmem>>, %arg4: memref<64x10xf32, #tpu.memory_space<vmem>>, %arg5: memref<1x10xf32, #tpu.memory_space<vmem>>, %arg6: memref<64x10xf32, #tpu.memory_space<vmem>>, %arg7: memref<64x64xf32, #tpu.memory_space<vmem>>, %arg8: memref<64x1xf32, #tpu.memory_space<vmem>>) attributes {dimension_semantics = [#tpu.dimension_semantics<arbitrary>], iteration_bounds = array<i64: 10>, scalar_prefetch = 0 : i64, scratch_operands = 2 : i64, tpu.core_type = #tpu.core_type<tc>, window_params = [{transform_indices = @transform_0, window_bounds = array<i64: 2, 1000, 64>}, {pipeline_mode = #tpu.pipeline_mode<synchronous>, transform_indices = @transform_1, window_bounds = array<i64: 1, 64>}, {transform_indices = @transform_2, window_bounds = array<i64: 1, 1, 1000>}, {pipeline_mode = #tpu.pipeline_mode<synchronous>, transform_indices = @transform_3, window_bounds = array<i64: 64, 10>}, {pipeline_mode = #tpu.pipeline_mode<synchronous>, transform_indices = @transform_4, window_bounds = array<i64: 1, 10>}, {pipeline_mode = #tpu.pipeline_mode<synchronous>, transform_indices = @transform_5, window_bounds = array<i64: 64, 10>}]} {
    %eq3A = arith.constant 0 : i32
    %eq3A_0 = arith.cmpi eq, %arg0, %eq3A : i32
    %convert_element_type3A = arith.extui %eq3A_0 : i1 to i32
    %cond3A = arith.constant 0 : i32
    %cond3A_1 = arith.cmpi ne, %convert_element_type3A, %cond3A : i32
    scf.if %cond3A_1 {
      %broadcast_in_dim3A_47 = arith.constant 0.000000e+00 : f32
      %broadcast_in_dim3A_48 = vector.broadcast %broadcast_in_dim3A_47 : f32 to vector<64x64xf32>
      %swap3A_49 = arith.constant 0 : index
      %swap3A_50 = arith.constant 0 : index
      %swap3A_51 = vector.load %arg7[%swap3A_49, %swap3A_50] : memref<64x64xf32, #tpu.memory_space<vmem>>, vector<64x64xf32>
      tpu.vector_store %arg7[%swap3A_49, %swap3A_50], %broadcast_in_dim3A_48 {strides = array<i32>} : memref<64x64xf32, #tpu.memory_space<vmem>>, vector<64x64xf32>,
      %broadcast_in_dim3A_52 = arith.constant 0.000000e+00 : f32
      %broadcast_in_dim3A_53 = vector.broadcast %broadcast_in_dim3A_52 : f32 to vector<64x1xf32>
      %swap3A_54 = arith.constant 0 : index
      %swap3A_55 = arith.constant 0 : index
      %swap3A_56 = vector.load %arg8[%swap3A_54, %swap3A_55] : memref<64x1xf32, #tpu.memory_space<vmem>>, vector<64x1xf32>
      tpu.vector_store %arg8[%swap3A_54, %swap3A_55], %broadcast_in_dim3A_53 {strides = array<i32>} : memref<64x1xf32, #tpu.memory_space<vmem>>, vector<64x1xf32>,
    } else {
    }
    %get3A = arith.constant 0 : index
    %get3A_2 = arith.constant 0 : index
    %get3A_3 = arith.constant 0 : index
    %get3A_4 = vector.load %arg1[%get3A, %get3A_2, %get3A_3] : memref<2x1000x64xf32, #tpu.memory_space<vmem>>, vector<1x1000x64xf32>
    %get3A_5 = vector.shape_cast %get3A_4 : vector<1x1000x64xf32> to vector<1000x64xf32>
    %get3A_6 = arith.constant 1 : index
    %get3A_7 = arith.constant 0 : index
    %get3A_8 = arith.constant 0 : index
    %get3A_9 = vector.load %arg1[%get3A_6, %get3A_7, %get3A_8] : memref<2x1000x64xf32, #tpu.memory_space<vmem>>, vector<1x1000x64xf32>
    %get3A_10 = vector.shape_cast %get3A_9 : vector<1x1000x64xf32> to vector<1000x64xf32>
    %add3A = arith.addf %get3A_5, %get3A_10 : vector<1000x64xf32>
    %get3A_11 = arith.constant 0 : index
    %get3A_12 = arith.constant 0 : index
    %get3A_13 = vector.load %arg2[%get3A_11, %get3A_12] : memref<1x64xf32, #tpu.memory_space<vmem>>, vector<1x64xf32>
    %add3A_14 = vector.broadcast %get3A_13 : vector<1x64xf32> to vector<1000x64xf32>
    %add3A_15 = arith.addf %add3A, %add3A_14 : vector<1000x64xf32>
    %max3A = arith.constant 0.000000e+00 : f32
    %max3A_16 = vector.broadcast %max3A : f32 to vector<1000x64xf32>
    %max3A_17 = arith.maximumf %add3A_15, %max3A_16 : vector<1000x64xf32>
    %get3A_18 = arith.constant 0 : index
    %get3A_19 = arith.constant 0 : index
    %get3A_20 = arith.constant 0 : index
    %get3A_21 = vector.load %arg3[%get3A_18, %get3A_19, %get3A_20] : memref<1x1x1000xi32, #tpu.memory_space<vmem>>, vector<1x1x1000xi32>
    %get3A_22 = vector.shape_cast %get3A_21 : vector<1x1x1000xi32> to vector<1x1000xi32>
    %iota3A = tpu.iota {dimensions = array<i32: 0>} : vector<64x1000xi32>
    %eq3A_23 = vector.broadcast %get3A_22 : vector<1x1000xi32> to vector<64x1000xi32>
    %eq3A_24 = arith.cmpi eq, %iota3A, %eq3A_23 : vector<64x1000xi32>
    %convert_element_type3A_25 = arith.extui %eq3A_24 : vector<64x1000xi1> to vector<64x1000xi32>
    %convert_element_type3A_26 = arith.sitofp %convert_element_type3A_25 : vector<64x1000xi32> to vector<64x1000xf32>
    %get3A_27 = arith.constant 0 : index
    %get3A_28 = arith.constant 0 : index
    %get3A_29 = vector.load %arg7[%get3A_27, %get3A_28] : memref<64x64xf32, #tpu.memory_space<vmem>>, vector<64x64xf32>
    %dot_general3A = arith.constant dense<0.000000e+00> : vector<64x64xf32>
    %dot_general3A_30 = tpu.matmul %convert_element_type3A_26, %max3A_17, %dot_general3A {dimension_numbers = #tpu.dot_dimension_numbers<[1], [0], [0], [1], [0, 0, 1, 1], [], []>, transpose_lhs_hint = false} : vector<64x1000xf32>, vector<1000x64xf32>, vector<64x64xf32> -> vector<64x64xf32>
    %add3A_31 = arith.addf %get3A_29, %dot_general3A_30 : vector<64x64xf32>
    %swap3A = arith.constant 0 : index
    %swap3A_32 = arith.constant 0 : index
    %swap3A_33 = vector.load %arg7[%swap3A, %swap3A_32] : memref<64x64xf32, #tpu.memory_space<vmem>>, vector<64x64xf32>
    tpu.vector_store %arg7[%swap3A, %swap3A_32], %add3A_31 {strides = array<i32>} : memref<64x64xf32, #tpu.memory_space<vmem>>, vector<64x64xf32>,
    %get3A_34 = arith.constant 0 : index
    %get3A_35 = arith.constant 0 : index
    %get3A_36 = vector.load %arg8[%get3A_34, %get3A_35] : memref<64x1xf32, #tpu.memory_space<vmem>>, vector<64x1xf32>
    %reduce_sum3A = arith.constant dense<0.000000e+00> : vector<64xf32>
    %reduce_sum3A_37 = vector.multi_reduction <add>, %convert_element_type3A_26, %reduce_sum3A [1] : vector<64x1000xf32> to vector<64xf32>
    %broadcast_in_dim3A = vector.shape_cast %reduce_sum3A_37 : vector<64xf32> to vector<64x1xf32>
    %add3A_38 = arith.addf %get3A_36, %broadcast_in_dim3A : vector<64x1xf32>
    %swap3A_39 = arith.constant 0 : index
    %swap3A_40 = arith.constant 0 : index
    %swap3A_41 = vector.load %arg8[%swap3A_39, %swap3A_40] : memref<64x1xf32, #tpu.memory_space<vmem>>, vector<64x1xf32>
    tpu.vector_store %arg8[%swap3A_39, %swap3A_40], %add3A_38 {strides = array<i32>} : memref<64x1xf32, #tpu.memory_space<vmem>>, vector<64x1xf32>,
    %eq3A_42 = arith.constant 9 : i32
    %eq3A_43 = arith.cmpi eq, %arg0, %eq3A_42 : i32
    %convert_element_type3A_44 = arith.extui %eq3A_43 : i1 to i32
    %cond3A_45 = arith.constant 0 : i32
    %cond3A_46 = arith.cmpi ne, %convert_element_type3A_44, %cond3A_45 : i32
    scf.if %cond3A_46 {
      %get3A_47 = arith.constant 0 : index
      %get3A_48 = arith.constant 0 : index
      %get3A_49 = vector.load %arg7[%get3A_47, %get3A_48] : memref<64x64xf32, #tpu.memory_space<vmem>>, vector<64x64xf32>
      %get3A_50 = arith.constant 0 : index
      %get3A_51 = arith.constant 0 : index
      %get3A_52 = vector.load %arg8[%get3A_50, %get3A_51] : memref<64x1xf32, #tpu.memory_space<vmem>>, vector<64x1xf32>
      %max3A_53 = arith.constant 1.000000e+00 : f32
      %max3A_54 = vector.broadcast %max3A_53 : f32 to vector<64x1xf32>
      %max3A_55 = arith.maximumf %get3A_52, %max3A_54 : vector<64x1xf32>
      %div3A = vector.broadcast %max3A_55 : vector<64x1xf32> to vector<64x64xf32>
      %div3A_56 = arith.divf %get3A_49, %div3A : vector<64x64xf32>
      %get3A_57 = arith.constant 0 : index
      %get3A_58 = arith.constant 0 : index
      %get3A_59 = vector.load %arg4[%get3A_57, %get3A_58] : memref<64x10xf32, #tpu.memory_space<vmem>>, vector<64x10xf32>
      %dot_general3A_60 = arith.constant dense<0.000000e+00> : vector<64x10xf32>
      %dot_general3A_61 = tpu.matmul %div3A_56, %get3A_59, %dot_general3A_60 {dimension_numbers = #tpu.dot_dimension_numbers<[1], [0], [0], [1], [0, 0, 1, 1], [], []>, transpose_lhs_hint = false} : vector<64x64xf32>, vector<64x10xf32>, vector<64x10xf32> -> vector<64x10xf32>
      %get3A_62 = arith.constant 0 : index
      %get3A_63 = arith.constant 0 : index
      %get3A_64 = vector.load %arg5[%get3A_62, %get3A_63] : memref<1x10xf32, #tpu.memory_space<vmem>>, vector<1x10xf32>
      %add3A_65 = vector.broadcast %get3A_64 : vector<1x10xf32> to vector<64x10xf32>
      %add3A_66 = arith.addf %dot_general3A_61, %add3A_65 : vector<64x10xf32>
      %swap3A_67 = arith.constant 0 : index
      %swap3A_68 = arith.constant 0 : index
      %swap3A_69 = vector.load %arg6[%swap3A_67, %swap3A_68] : memref<64x10xf32, #tpu.memory_space<vmem>>, vector<64x10xf32>
      tpu.vector_store %arg6[%swap3A_67, %swap3A_68], %add3A_66 {strides = array<i32>} : memref<64x10xf32, #tpu.memory_space<vmem>>, vector<64x10xf32>,
    } else {
    }
    return
  }
  func.func @transform_0(%arg0: i32) -> (i32, i32, i32) {
    %c0_i32 = arith.constant 0 : i32
    %c0_i32_0 = arith.constant 0 : i32
    %c0_i32_1 = arith.constant 0 : i32
    return %c0_i32, %arg0, %c0_i32_0 : i32, i32, i32
  }
  func.func @transform_1(%arg0: i32) -> (i32, i32) {
    %c0_i32 = arith.constant 0 : i32
    %c0_i32_0 = arith.constant 0 : i32
    %c0_i32_1 = arith.constant 0 : i32
    return %c0_i32, %c0_i32_0 : i32, i32
  }
  func.func @transform_2(%arg0: i32) -> (i32, i32, i32) {
    %c0_i32 = arith.constant 0 : i32
    %c0_i32_0 = arith.constant 0 : i32
    %c0_i32_1 = arith.constant 0 : i32
    return %arg0, %c0_i32, %c0_i32_0 : i32, i32, i32
  }
  func.func @transform_3(%arg0: i32) -> (i32, i32) {
    %c0_i32 = arith.constant 0 : i32
    %c0_i32_0 = arith.constant 0 : i32
    %c0_i32_1 = arith.constant 0 : i32
    return %c0_i32, %c0_i32_0 : i32, i32
  }
  func.func @transform_4(%arg0: i32) -> (i32, i32) {
    %c0_i32 = arith.constant 0 : i32
    %c0_i32_0 = arith.constant 0 : i32
    %c0_i32_1 = arith.constant 0 : i32
    return %c0_i32, %c0_i32_0 : i32, i32
  }
  func.func @transform_5(%arg0: i32) -> (i32, i32) {
    %c0_i32 = arith.constant 0 : i32
    %c0_i32_0 = arith.constant 0 : i32
    %c0_i32_1 = arith.constant 0 : i32
    return %c0_i32, %c0_i32_0 : i32, i32
  }
}

</mosaic_0001>

<sc_bundles>
// kernel: kernel.12.cloned.1.call-start
scs
__scs_entry_jumppad:
0x0: {  	(pc) =	sbr.rel $0x88, $3  }
0x1: {  	(tag) =	ssettag $0x0;
	lr =	simm.s32 $0x1  }
0x2: {  	[smem:$0x3F96] =	sst lr;
	_ =	strace $0xD0000000  }
0x3: {  	_ = 	snop  }
0x4: {  	_ = 	snop  }
0x5: {  	_ = 	snop  }
0x6: {  	_ = 	snop  }
0x7: {  	_ = 	snop  }
__scs_overlays_trampoline_lowered:
0x8: {  	[smem:$0x3FA5] =	sst s0  }
0x9: {  	[smem:$0x3FA6] =	sst s1  }
0xa: {  	[smem:$0x3FA7] =	sst s2  }
0xb: {  	[smem:$0x3FA8] =	sst s3  }
0xc: {  	[smem:$0x3FA9] =	sst s4  }
0xd: {  	[smem:$0x3FAA] =	sst s5  }
0xe: {  	[smem:$0x3FAB] =	sst s6  }
0xf: {  	[smem:$0x3FAC] =	sst s7  }
0x10: {  	[smem:$0x3FAD] =	sst s8  }
0x11: {  	[smem:$0x3FAE] =	sst s9;
	s0 =	simm.s32 @!p0 $0x0  }
0x12: {  	s1 =	sld [smem:$0x3F94];
	s0 =	simm.s32 @p0 $0x1  }
0x13: {  	[smem:$0x3FAF] =	sst s0;
	s0 =	simm.s32 @!p1 $0x0  }
0x14: {  	s2 =	sld [smem:$0x3F93];
	s0 =	simm.s32 @p1 $0x1  }
0x15: {  	[smem:$0x3FB0] =	sst s0;
	s0 =	simm.s32 @!p2 $0x0  }
0x16: {  	s3 =	sld [smem:$0x3FDB];
	s0 =	simm.s32 @p2 $0x1  }
0x17: {  	s4 =	simm.s32 $0x1BF5;
	[smem:$0x3FB2] =	sst s0  }
0x18: {  	s0 =	sld [smem:$0x3F95];
	_ =	swait.ge [sflag:s4], $0x0  }
0x19: {  	s7 =	sld [smem:$0x3F96]  }
0x1a: {  	s8 =	sadd.s32 $0xFFFFE003, lr  }
0x1b: {  	s9 =	sadd.s32 $0xFFFFFEF7, lr;
	s5 =	simm.s32 $0xFFFFFFFF;
	p2 =	slt.u32 s8, $0xFFFFF086  }
0x1c: {  	p1 =	slt.u32 s9, $0xF7A;
	s5 =	simm.s32 @!p2 $0x0  }
0x1d: {  	s5 =	simm.s32 @p1 $0x1;
	p0 =	seq.s32 s7, s2  }
0x1e: {  	s7 =	smul.u32 @!p0 $0xF7A, s2;
	p2 =	seq.s32 @!p0 s5, $0x0  }
0x1f: {  	s9 =	smul.u32 $0xF7A, s1;
	s8 =	simm.s32 @!p0 $0x1BF5;
	p2 =	por !p2, p0  }
0x20: {  	[sflag:s8] =	ssyncset.s32 @!p0 $0xFFFFF086;
	s6 =	sadd.s32 @!p0 s3, s7;
	s7 =	simm.s32 @!p0 $0x108  }
0x21: {  	s3 =	sadd.s32 s3, s9;
	s6 =	sadd.s32 @!p0 $0x88, s6;
	s7 =	simm.s32 @p2 $0x1082  }
0x22: {  	[simem:s7], [sflag:s8] =	dma.local @!p0 [hbm:s6], $0xF7A  }
0x23: {  	s9 =	sor.u32 $0xD0000000, s2;
	s6 =	simm.s32 $0x108;
	_ =	swait.ge @!p0 [sflag:s8], $0x0  }
0x24: {  	s3 =	sadd.s32 $0x88, s3;
	s6 =	simm.s32 @!p1 $0x1082;
	[sflag:s4] =	ssyncset.s32 $0xFFFFF086  }
0x25: {  	[simem:s6], [sflag:s4] =	dma.local [hbm:s3], $0xF7A  }
0x26: {  	[smem:$0x3F96] =	sst s1;
	(tag) =	ssettag s2;
	_ =	strace s9  }
0x27: {  	s1 =	sld [smem:$0x3FA6]  }
0x28: {  	s2 =	sld [smem:$0x3FA7]  }
0x29: {  	s4 =	sld [smem:$0x3FA9]  }
0x2a: {  	p0 =	seq.s32 s5, $0x0;
	s5 =	sld [smem:$0x3FAA]  }
0x2b: {  	s6 =	sld [smem:$0x3FAB]  }
0x2c: {  	s7 =	sld [smem:$0x3FAC]  }
0x2d: {  	s3 =	simm.s32 $0x108;
	s8 =	sld [smem:$0x3FAD]  }
0x2e: {  	s3 =	simm.s32 @!p0 $0x1082;
	s9 =	sld [smem:$0x3FAE]  }
0x2f: {  	lr =	sadd.s32 s0, s3;
	s0 =	sld [smem:$0x3FA5]  }
0x30: {  	s3 =	sld [smem:$0x3FA8]  }
0x31: {  	[smem:$0x3FB1] =	sst s10  }
0x32: {  	s10 =	sld [smem:$0x3FAF];
	_ =	sdelay $0x3  }
0x33: {  	p0 =	seq.s32 s10, $0x1;
	s10 =	sld [smem:$0x3FB1];
	_ =	sdelay $0x3  }
0x34: {  	[smem:$0x3FB1] =	sst s10  }
0x35: {  	s10 =	sld [smem:$0x3FB0];
	_ =	sdelay $0x3  }
0x36: {  	p1 =	seq.s32 s10, $0x1;
	s10 =	sld [smem:$0x3FB1];
	_ =	sdelay $0x3  }
0x37: {  	[smem:$0x3FB1] =	sst s10  }
0x38: {  	s10 =	sld [smem:$0x3FB2]  }
0x39: {  	_ = 	snop;
	(pc) =	sbr.ind lr, $3  }
0x3a: {  	_ = 	snop  }
0x3b: {  	_ = 	snop  }
0x3c: {  	p2 =	seq.s32 s10, $0x1;
	s10 =	sld [smem:$0x3FB1]  }
0x3d: {  	_ =	shalt  }
0x3e: {  	_ =	shalt  }
0x3f: {  	_ =	shalt  }
0x40: {  	_ =	shalt  }
0x41: {  	_ =	shalt  }
0x42: {  	_ =	shalt  }
0x43: {  	_ =	shalt  }
0x44: {  	_ =	shalt  }
0x45: {  	_ =	shalt  }
0x46: {  	_ =	shalt  }
0x47: {  	_ =	shalt  }
0x48: {  	_ =	shalt  }
0x49: {  	_ =	shalt  }
0x4a: {  	_ =	shalt  }
0x4b: {  	_ =	shalt  }
0x4c: {  	_ =	shalt  }
0x4d: {  	_ =	shalt  }
0x4e: {  	_ =	shalt  }
0x4f: {  	_ =	shalt  }
0x50: {  	_ =	shalt  }
0x51: {  	_ =	shalt  }
0x52: {  	_ =	shalt  }
0x53: {  	_ =	shalt  }
0x54: {  	_ =	shalt  }
0x55: {  	_ =	shalt  }
0x56: {  	_ =	shalt  }
0x57: {  	_ =	shalt  }
0x58: {  	_ =	shalt  }
0x59: {  	_ =	shalt  }
0x5a: {  	_ =	shalt  }
0x5b: {  	_ =	shalt  }
0x5c: {  	_ =	shalt  }
0x5d: {  	_ =	shalt  }
0x5e: {  	_ =	shalt  }
0x5f: {  	_ =	shalt  }
0x60: {  	_ =	shalt  }
0x61: {  	_ =	shalt  }
0x62: {  	_ =	shalt  }
0x63: {  	_ =	shalt  }
0x64: {  	_ =	shalt  }
0x65: {  	_ =	shalt  }
0x66: {  	_ =	shalt  }
0x67: {  	_ =	shalt  }
0x68: {  	_ =	shalt  }
0x69: {  	_ =	shalt  }
0x6a: {  	_ =	shalt  }
0x6b: {  	_ =	shalt  }
0x6c: {  	_ =	shalt  }
0x6d: {  	_ =	shalt  }
0x6e: {  	_ =	shalt  }
0x6f: {  	_ =	shalt  }
0x70: {  	_ =	shalt  }
0x71: {  	_ =	shalt  }
0x72: {  	_ =	shalt  }
0x73: {  	_ =	shalt  }
0x74: {  	_ =	shalt  }
0x75: {  	_ =	shalt  }
0x76: {  	_ =	shalt  }
0x77: {  	_ =	shalt  }
0x78: {  	_ =	shalt  }
0x79: {  	_ =	shalt  }
0x7a: {  	_ =	shalt  }
0x7b: {  	_ =	shalt  }
0x7c: {  	_ =	shalt  }
0x7d: {  	_ =	shalt  }
0x7e: {  	_ =	shalt  }
0x7f: {  	_ =	shalt  }
0x80: {  	_ =	shalt  }
0x81: {  	_ =	shalt  }
0x82: {  	_ =	shalt  }
0x83: {  	_ =	shalt  }
0x84: {  	_ =	shalt  }
0x85: {  	_ =	shalt  }
0x86: {  	_ =	shalt  }
0x87: {  	_ =	shalt  }
.Lfunc_end0:
.L_simem_size_0:
called_computation.1_lowered:
.L_overlay_start_0:
0x88: {  	s2 =	sld [smem:$0x3FD9]  }
0x89: {  	s3 =	sld [smem:$0x3FFE];
	_ =	sdelay $0x1  }
0x8a: {  	s1 =	srdreg.scid  }
0x8b: {  	s0 =	sand.u32 $0x1, s1  }
0x8c: {  	s16 =	sshll.u32 s0, $0xA;
	s2 =	sadd.s32 s3, s2  }
0x8d: {  	s2 =	sadd.s32 s2, s16  }
0x8e: {  	[smem:$0x3FBD] =	sst s2  }
0x8f: {  	_ = 	snop  }
0x90: {  	(tm) =	ssettm $0x1  }
0x91: {  	s17 =	sld [smem:$0x3FFB];
	_ =	sdelay $0x3  }
0x92: {  	_ =	strace s17  }
0x93: {  	s2 =	sld [smem:$0x3FFC];
	_ =	sdelay $0x3  }
0x94: {  	_ =	strace s2  }
0x95: {  	s2 =	sld [smem:$0x3FFD];
	_ =	sdelay $0x3  }
0x96: {  	_ =	strace s2  }
0x97: {  	_ =	strace $0x8FFFFFFF  }
0x98: {  	s18 =	sld [smem:$0x3FDB];
	_ =	sdelay $0x1  }
0x99: {  	s19 =	simm.s32 $_scs_section_size  }
0x9a: {  	s4 =	simm.s32 $_size__tile_overlayer_lowered;
	s5 =	simm.s32 $_tile_overlayer_lowered  }
0x9b: {  	s22 =	simm.s32 $0x1BFF;
	s21 =	sshll.u32 s5, $0x1;
	s2 =	sadd.s32 s19, s18  }
0x9c: {  	s6 =	simm.s32 $0x0;
	s20 =	sshll.u32 s4, $0x1;
	s4 =	sadd.s32 s21, s2  }
0x9d: {  	[timem:s6], [sflag:s22] =	dma.local [hbm:s4], s20  }
0x9e: {  	_ =	swait.ge [sflag:s22], s20  }
0x9f: {  	s3 =	ssub.s32 $0x0, s20;
	[sflag:s22] =	ssyncset.done $0x0  }
0xa0: {  	[sflag:s22] =	ssyncadd.s32 s3;
	_ =	sdelay $0x1  }
0xa1: {  	s23 =	simm.s32 $0x1B8B  }
0xa2: {  	_ =	swait.ge [sflag:s23], $0x1  }
0xa3: {  	[sflag:s23] =	ssyncset.done $0x0  }
0xa4: {  	s25 =	simm.s32 $0x1B8E;
	s24 =	sld [smem:$0x3FFE];
	[sflag:s23] =	ssyncadd.s32 $0xFFFFFFFF  }
0xa5: {  	s26 =	simm.s32 $execute0_lowered;
	[smem:$0x3FD2] =	sst s25  }
0xa6: {  	s4 =	sshll.u32 s26, $0x1;
	_ =	strace $0x80000049;
	[dreg:$0x1] =	wrdreg $0xFFFFFFFF  }
0xa7: {  	s28 =	simm.s32 $_size_execute0_lowered;
	s2 =	sadd.s32 s2, s4;
	[dreg:$0x0] =	wrdreg $0x0  }
0xa8: {  	s4 =	sshll.u32 s28, $0x1;
	[dreg:$0x2] =	wrdreg s2  }
0xa9: {  	[dreg:$0x3] =	wrdreg s4  }
0xaa: {  	[dreg:$0x4] =	wrdreg $0xC0  }
0xab: {  	_ =	task [dreg:s6], $0x5FFFF  }
0xac: {  	[dreg:$0x1] =	wrdreg $0xFFFFFFFF  }
0xad: {  	[dreg:$0x0] =	wrdreg $0x60  }
0xae: {  	[dreg:$0x2] =	wrdreg s24  }
0xaf: {  	[dreg:$0x3] =	wrdreg $0xFB000  }
0xb0: {  	[dreg:$0x4] =	wrdreg $0x5E800  }
0xb1: {  	[dreg:$0x5] =	wrdreg $0x9  }
0xb2: {  	_ =	task.clear_ibuf [dreg:s6], $0x6FFFF;
	_ =	strace $0x90000049  }
0xb3: {  	s29 =	simm.s32 $0x9;
	_ =	strace $0x8000004B  }
0xb4: {  	_ =	swait.ge [sflag:s29], $0x1  }
0xb5: {  	[sflag:s29] =	ssyncadd.s32 $0xFFFFFFFF  }
0xb6: {  	_ =	strace $0x9000004B  }
0xb7: {  	_ =	sfence  }
0xb8: {  	s30 =	sld [smem:$0x0];
	_ =	sdelay $0x2  }
0xb9: {  	s31 =	sshll.u32 s1, $0xD;
	s1 =	sshrl.u32 s1, $0x2  }
0xba: {  	s3 =	sand.u32 $0x4000, s31;
	s1 =	sadd.s32 s1, s30  }
0xbb: {  	s0 =	sor.u32 s3, s0;
	s1 =	sshll.u32 s1, $0x11  }
0xbc: {  	s0 =	sor.u32 s1, s0  }
0xbd: {  	s0 =	sadd.s32 $0x8F2B, s0  }
0xbe: {  	[sflag:s0] =	ssyncadd.remote.s32 $0x1  }
0xbf: {  	_ =	sfence.sel $0xFFFF  }
0xc0: {  	[dreg:$0x0] =	wrdreg $0xFFFFFFFF;
	(pc) =	sbr.abs _section_cstart, $3  }
0xc1: {  	[dreg:$0x1] =	wrdreg $0xFFFFFFFF  }
0xc2: {  	_ =	task.clear_ibuf [dreg:s6], $0x2FFFF;
	_ =	strace $0x9FFFFFFF  }
0xc3: {  	(tm) =	ssettm $0x7FFFFFFF  }
tec
execute0_lowered:
.L_overlay_start_1:
0x0: {  	(tag) =	ssettag $0x1  }
0x1: {  	s9 =	rddreg [dreg:$0x0]  }
0x2: {  	s1 =	rddreg [dreg:$0x1]  }
0x3: {  	s3 =	rddreg [dreg:$0x2];
	s0 =	stileid.u32  }
0x4: {  	s2 =	srdreg.scid;
	s4 =	simm.s32 $0x0;
	s20 =	simm.s32 $0x2740  }
0x5: {  	s21 =	simm.s32 $0x40;
	s22 =	simm.s32 $0x4E80;
	s11 =	smul.u32 $0x9C00, s0  }
0x6: {  	s16 =	sand.u32 $0x1, s2;
	s5 =	sshll.u32 s0, $0x1;
	s2 =	rddreg [dreg:$0x3]  }
0x7: {  	[smem:$0x7FF] =	sst s4;
	s14 =	sadd.s32 $0x2A000, s9;
	s10 =	smul.u32 $0x27000, s0  }
0x8: {  	s19 =	sadd.s32 $0x92400, s1;
	p1 =	seq.s32 s0, $0xF;
	s5 =	sor.u32 s16, s5  }
0x9: {  	_ =	strace $0x8000004A;
	s31 =	ssub.s32 $0x2, s16;
	s13 =	smul.u32 $0x9C400, s16  }
0xa: {  	p0 =	seq.s32 s16, $0x1;
	p2 =	sne.s32 s16, $0x0;
	s16 =	simm.s32 $0x1FC1  }
0xb: {  	s6 =	sshrl.u32 s11, $0x3;
	s5 =	smul.u32 $0x4E8, s5;
	s8 =	sshrl.u32 s31, $0x1  }
0xc: {  	s10 =	sshrl.u32 s10, $0x2;
	s7 =	sadd.s32 s6, s9;
	s15 =	ssub.s32 s31, s8  }
0xd: {  	s6 =	sadd.s32 s11, s1;
	s8 =	sadd.s32 s11, s3;
	s23 =	sadd.s32 s10, s3  }
0xe: {  	s10 =	sadd.s32 $0x92400, s3;
	s17 =	sadd.s32 s11, s13;
	s18 =	sshrl.u32 s13, $0x3  }
0xf: {  	s12 =	sadd.s32 s5, s9;
	s5 =	sadd.s32 $0x28C00, s9;
	s7 =	sadd.s32 $0x1600, s7  }
0x10: {  	s9 =	sadd.s32 $0x13A80, s9;
	s17 =	sshrl.u32 s17, $0x3;
	s15 =	smax.u32 s15, $0x1  }
0x11: {  	s23 =	sshrl.u32 @p0 s23, $0x3;
	s11 =	sadd.s32 $0x1EE00, s12;
	s12 =	sadd.s32 $0x15000, s12  }
0x12: {  	s13 =	sadd.s32 s14, s17;
	s14 =	sadd.s32 s14, s18;
	s17 =	sshrl.u32 s19, $0x3  }
0x13: {  	s18 =	simm.s32 $0x1;
	s19 =	sshrl.u32 @!p2 s19, $0x3;
	s14 =	sadd.s32 $0x12480, s14  }
.LBB2_1:
.Ltmp0:
0x14: {  	(pc) =	sbr.rel @!p1 .LBB2_2-.Ltmp0, $1  }
0x15: {  	_ =	sdelay $0x3  }
0x16: {  	[spmem:s17], [sflag:s16] =	dma.local [hbm:s9], $0x1400  }
0x17: {  	_ =	swait.ge [sflag:s18], $0x1400  }
0x18: {  	[sflag:s18] =	ssyncset.done $0x0  }
0x19: {  	s24 =	sshrl.u32 @!p2 s10, $0x3;
	[sflag:s18] =	ssyncadd.s32 $0xFFFFEC00  }
0x1a: {  	[spmem:s24], [sflag:s16] =	dma.local @!p2 [spmem:s19], $0x1400  }
0x1b: {  	s24 =	simm.s32 @!p2 $0x1  }
0x1c: {  	_ =	swait.ge @!p2 [sflag:s24], $0x1400  }
0x1d: {  	[sflag:s24] =	ssyncset.done @!p2 $0x0  }
0x1e: {  	[sflag:s24] =	ssyncadd.s32 @!p2 $0xFFFFEC00;
	s24 =	sshrl.u32 @p0 s10, $0x3  }
0x1f: {  	[spmem:s24], [sflag:s16] =	dma.local @p0 [hbm:s5], $0x1400  }
.Ltmp1:
0x20: {  	_ = 	snop;
	(pc) =	sbr.rel .LBB2_4-.Ltmp1, $4  }
0x21: {  	s24 =	simm.s32 @p0 $0x1  }
0x22: {  	_ =	swait.ge @p0 [sflag:s24], $0x1400  }
0x23: {  	[sflag:s24] =	ssyncset.done @p0 $0x0  }
0x24: {  	[sflag:s24] =	ssyncadd.s32 @p0 $0xFFFFEC00  }
.LBB2_2:
0x25: {  	s24 =	sshll.u32 s0, $0x6  }
0x26: {  	s25 =	sshrl.u32 s6, $0x3;
	s24 =	sor.u32 $0x1C01, s24  }
0x27: {  	[spmem:s25], [sflag:s24] =	dma.local [hbm:s7], $0x1380  }
0x28: {  	_ =	swait.ge [sflag:s18], $0x1380  }
0x29: {  	[sflag:s18] =	ssyncset.done $0x0  }
0x2a: {  	s26 =	sshrl.u32 @!p2 s8, $0x3;
	s25 =	sshrl.u32 @!p2 s6, $0x3;
	[sflag:s18] =	ssyncadd.s32 $0xFFFFEC80  }
0x2b: {  	[spmem:s26], [sflag:s24] =	dma.local @!p2 [spmem:s25], $0x1380  }
0x2c: {  	s25 =	simm.s32 @!p2 $0x1  }
0x2d: {  	_ =	swait.ge @!p2 [sflag:s25], $0x1380  }
0x2e: {  	[sflag:s25] =	ssyncset.done @!p2 $0x0  }
0x2f: {  	[sflag:s25] =	ssyncadd.s32 @!p2 $0xFFFFEC80  }
0x30: {  	[spmem:s23], [sflag:s24] =	dma.local @p0 [hbm:s5], $0x1380  }
0x31: {  	s24 =	simm.s32 @p0 $0x1  }
0x32: {  	_ =	swait.ge @p0 [sflag:s24], $0x1380  }
0x33: {  	[sflag:s24] =	ssyncset.done @p0 $0x0  }
0x34: {  	[sflag:s24] =	ssyncadd.s32 @p0 $0xFFFFEC80  }
.LBB2_4:
0x35: {  	s24 =	simm.s32 $0x0  }
0x36: {  	[tilespmem:s24], [sflag:$0x1] =	stream.linear.gather [hbm4b:s11+s24], $0x2740, $0x38;
	[tilespmem:$0x19740] =	vst v63  }
0x37: {  	_ =	swait.ge [sflag:s18], $0x2740  }
0x38: {  	[sflag:s18] =	ssyncset.done $0x0  }
0x39: {  	[sflag:s18] =	ssyncadd.s32 $0xFFFFD8C0  }
0x3a: {  	[tilespmem:s20], [sflag:$0x1] =	stream.linear.gather [hbm4b:s12+s24], $0x2740, $0x38;
	[tilespmem:$0x19740] =	vst v63  }
0x3b: {  	_ =	swait.ge [sflag:s18], $0x2740  }
0x3c: {  	[sflag:s18] =	ssyncset.done $0x0  }
0x3d: {  	[sflag:s18] =	ssyncadd.s32 $0xFFFFD8C0  }
0x3e: {  	s30 =	simm.s32 $0x0;
	[bflag:$0x0] =	sbarrier.arrive $0xFFFF  }
0x3f: {  	[tilespmem:s22], [sflag:$0x1] =	stream.indirect.gather [spmem:s1], $0x40, s30, s21, $0xb8;
	[tilespmem:$0x19740] =	vst v63  }
0x40: {  	_ =	swait.ge [sflag:s18], $0x1000  }
0x41: {  	[sflag:s18] =	ssyncset.done $0x0  }
0x42: {  	s31 =	simm.s32 $0x2740;
	[sflag:s18] =	ssyncadd.s32 $0xFFFFF000  }
0x43: {  	[spmem:s3] =	stream.indirect.scatter.add.f32 [tilespmem:s22], [sflag:$0x1], $0x40, s31, s21, $0xb8;
	[tilespmem:$0x19740] =	vst v63  }
0x44: {  	_ =	swait.ge [sflag:s18], $0x1000  }
0x45: {  	s25 =	simm.s32 $0x200;
	s24 =	simm.s32 $0x100;
	[sflag:s18] =	ssyncset.done $0x0  }
.LBB2_5:
0x46: {  	s26 =	sshra.s32 s24, $0x2  }
0x47: {  	[sflag:s18] =	ssyncadd.s32 $0xFFFFF000;
	s24 =	smov.u32 s25;
	s28 =	sadd.s32 $0x100, s25  }
0x48: {  	[tilespmem:s22], [sflag:$0x1] =	stream.indirect.gather [spmem:s1], $0x40, s26, s21, $0xb8;
	[tilespmem:$0x19740] =	vst v63  }
0x49: {  	p3 =	sne.s32 s25, $0x9C00;
	_ =	swait.ge [sflag:s18], $0x1000  }
.Ltmp2:
0x4a: {  	[sflag:s18] =	ssyncset.done $0x0;
	(pc) =	sbr.rel @p3 .LBB2_5-.Ltmp2, $4  }
0x4b: {  	s25 =	sadd.s32 $0x2740, s26;
	[sflag:s18] =	ssyncadd.s32 $0xFFFFF000  }
0x4c: {  	[spmem:s3] =	stream.indirect.scatter.add.f32 [tilespmem:s22], [sflag:$0x1], $0x40, s25, s21, $0xb8;
	[tilespmem:$0x19740] =	vst v63  }
0x4d: {  	_ =	swait.ge [sflag:s18], $0x1000  }
0x4e: {  	s25 =	smov.u32 s28;
	[sflag:s18] =	ssyncset.done $0x0  }
0x4f: {  	s24 =	sshra.s32 s24, $0x2;
	[sflag:s18] =	ssyncadd.s32 $0xFFFFF000  }
0x50: {  	[tilespmem:s22], [sflag:$0x1] =	stream.indirect.gather [spmem:s1], $0x40, s24, s21, $0xb8;
	[tilespmem:$0x19740] =	vst v63  }
0x51: {  	_ =	swait.ge [sflag:s18], $0x1000  }
0x52: {  	[sflag:s18] =	ssyncset.done $0x0  }
0x53: {  	s24 =	sadd.s32 $0x2740, s24;
	[sflag:s18] =	ssyncadd.s32 $0xFFFFF000  }
0x54: {  	[spmem:s3] =	stream.indirect.scatter.add.f32 [tilespmem:s22], [sflag:$0x1], $0x40, s24, s21, $0xb8;
	[tilespmem:$0x19740] =	vst v63  }
0x55: {  	_ =	swait.ge [sflag:s18], $0x1000  }
0x56: {  	[sflag:s18] =	ssyncset.done $0x0  }
0x57: {  	[sflag:s18] =	ssyncadd.s32 $0xFFFFF000  }
0x58: {  	s25 =	simm.s32 @p1 $0x1FC1;
	s24 =	sshrl.u32 @p1 s10, $0x3;
	[bflag:$0x0] =	sbarrier.arrive $0xFFFF  }
0x59: {  	[hbm:s14], [sflag:s25] =	dma.local @p1 [spmem:s24], $0x1400  }
0x5a: {  	s24 =	simm.s32 @p1 $0x1  }
0x5b: {  	s4 =	sadd.s32 $0x1, s4;
	_ =	swait.ge @p1 [sflag:s24], $0x1400  }
0x5c: {  	p3 =	sne.s32 s4, s15;
	s25 =	sshll.u32 @!p1 s0, $0x6;
	[sflag:s24] =	ssyncset.done @p1 $0x0  }
0x5d: {  	[sflag:s24] =	ssyncadd.s32 @p1 $0xFFFFEC00;
	s24 =	sor.u32 @!p1 $0x1C01, s25;
	s25 =	sshrl.u32 @!p1 s8, $0x3  }
0x5e: {  	[hbm:s13], [sflag:s24] =	dma.local @!p1 [spmem:s25], $0x1380  }
.Ltmp3:
0x5f: {  	_ = 	snop;
	(pc) =	sbr.rel @p3 .LBB2_1-.Ltmp3, $4  }
0x60: {  	s24 =	simm.s32 @!p1 $0x1  }
0x61: {  	_ =	swait.ge @!p1 [sflag:s24], $0x1380  }
0x62: {  	[sflag:s24] =	ssyncset.done @!p1 $0x0  }
0x63: {  	[sflag:s24] =	ssyncadd.s32 @!p1 $0xFFFFEC80  }
0x64: {  	_ =	sfence.sel $0x180000  }
0x65: {  	[bflag:$0x0] =	sbarrier.arrive $0xFFFF  }
0x66: {  	p0 =	sne.s32 s0, $0x0;
	_ =	strace $0x9000004A  }
0x67: {  	s0 =	sadd.s32 @!p0 $0x100000, s2;
	[bflag:$0x2] =	sbarrier.arrive $0xFFFF  }
0x68: {  	[sflag:s0] =	ssyncadd.tile.s32 @!p0 $0x1;
	_ =	shalt  }
.Lfunc_end2:
_tile_overlayer_lowered:
.L_overlay_start_2:
0x69: {  	(tag) =	ssettag $0x2  }
0x6a: {  	s0 =	rddreg [dreg:$0x0];
	s2 =	stileid.u32  }
0x6b: {  	s1 =	rddreg [dreg:$0x1];
	p0 =	sne.s32 s2, $0x0  }
0x6c: {  	s3 =	rddreg [dreg:$0x2];
	[bflag:$0x3] =	sbarrier.arrive $0xFFFF;
	s2 =	simm.s32 @!p0 $0x1C01  }
0x6d: {  	[timem:s3], [sflag:s2] =	dma.local @!p0 [hbm:s0], s1  }
0x6e: {  	s0 =	simm.s32 @!p0 $0x1  }
0x6f: {  	_ =	swait.ge @!p0 [sflag:s0], s1  }
0x70: {  	s1 =	ssub.s32 @!p0 $0x0, s1;
	[sflag:s0] =	ssyncset.done @!p0 $0x0  }
0x71: {  	[sflag:s0] =	ssyncadd.s32 @!p0 s1  }
0x72: {  	[bflag:$0x3] =	sbarrier.arrive $0xFFFF  }
0x73: {  	_ =	shalt  }

// kernel: kernel.15.cloned.1.call-start
scs
__scs_entry_jumppad:
0x0: {  	(pc) =	sbr.rel $0x88, $3  }
0x1: {  	(tag) =	ssettag $0x0;
	lr =	simm.s32 $0x1  }
0x2: {  	[smem:$0x3F96] =	sst lr;
	_ =	strace $0xD0000000  }
0x3: {  	_ = 	snop  }
0x4: {  	_ = 	snop  }
0x5: {  	_ = 	snop  }
0x6: {  	_ = 	snop  }
0x7: {  	_ = 	snop  }
__scs_overlays_trampoline_lowered:
0x8: {  	[smem:$0x3FA5] =	sst s0  }
0x9: {  	[smem:$0x3FA6] =	sst s1  }
0xa: {  	[smem:$0x3FA7] =	sst s2  }
0xb: {  	[smem:$0x3FA8] =	sst s3  }
0xc: {  	[smem:$0x3FA9] =	sst s4  }
0xd: {  	[smem:$0x3FAA] =	sst s5  }
0xe: {  	[smem:$0x3FAB] =	sst s6  }
0xf: {  	[smem:$0x3FAC] =	sst s7  }
0x10: {  	[smem:$0x3FAD] =	sst s8  }
0x11: {  	[smem:$0x3FAE] =	sst s9;
	s0 =	simm.s32 @!p0 $0x0  }
0x12: {  	s1 =	sld [smem:$0x3F94];
	s0 =	simm.s32 @p0 $0x1  }
0x13: {  	[smem:$0x3FAF] =	sst s0;
	s0 =	simm.s32 @!p1 $0x0  }
0x14: {  	s2 =	sld [smem:$0x3F93];
	s0 =	simm.s32 @p1 $0x1  }
0x15: {  	[smem:$0x3FB0] =	sst s0;
	s0 =	simm.s32 @!p2 $0x0  }
0x16: {  	s3 =	sld [smem:$0x3FDB];
	s0 =	simm.s32 @p2 $0x1  }
0x17: {  	s4 =	simm.s32 $0x1BF5;
	[smem:$0x3FB2] =	sst s0  }
0x18: {  	s0 =	sld [smem:$0x3F95];
	_ =	swait.ge [sflag:s4], $0x0  }
0x19: {  	s7 =	sld [smem:$0x3F96]  }
0x1a: {  	s8 =	sadd.s32 $0xFFFFE003, lr  }
0x1b: {  	s9 =	sadd.s32 $0xFFFFFEF7, lr;
	s5 =	simm.s32 $0xFFFFFFFF;
	p2 =	slt.u32 s8, $0xFFFFF086  }
0x1c: {  	p1 =	slt.u32 s9, $0xF7A;
	s5 =	simm.s32 @!p2 $0x0  }
0x1d: {  	s5 =	simm.s32 @p1 $0x1;
	p0 =	seq.s32 s7, s2  }
0x1e: {  	s7 =	smul.u32 @!p0 $0xF7A, s2;
	p2 =	seq.s32 @!p0 s5, $0x0  }
0x1f: {  	s9 =	smul.u32 $0xF7A, s1;
	s8 =	simm.s32 @!p0 $0x1BF5;
	p2 =	por !p2, p0  }
0x20: {  	[sflag:s8] =	ssyncset.s32 @!p0 $0xFFFFF086;
	s6 =	sadd.s32 @!p0 s3, s7;
	s7 =	simm.s32 @!p0 $0x108  }
0x21: {  	s3 =	sadd.s32 s3, s9;
	s6 =	sadd.s32 @!p0 $0x88, s6;
	s7 =	simm.s32 @p2 $0x1082  }
0x22: {  	[simem:s7], [sflag:s8] =	dma.local @!p0 [hbm:s6], $0xF7A  }
0x23: {  	s9 =	sor.u32 $0xD0000000, s2;
	s6 =	simm.s32 $0x108;
	_ =	swait.ge @!p0 [sflag:s8], $0x0  }
0x24: {  	s3 =	sadd.s32 $0x88, s3;
	s6 =	simm.s32 @!p1 $0x1082;
	[sflag:s4] =	ssyncset.s32 $0xFFFFF086  }
0x25: {  	[simem:s6], [sflag:s4] =	dma.local [hbm:s3], $0xF7A  }
0x26: {  	[smem:$0x3F96] =	sst s1;
	(tag) =	ssettag s2;
	_ =	strace s9  }
0x27: {  	s1 =	sld [smem:$0x3FA6]  }
0x28: {  	s2 =	sld [smem:$0x3FA7]  }
0x29: {  	s4 =	sld [smem:$0x3FA9]  }
0x2a: {  	p0 =	seq.s32 s5, $0x0;
	s5 =	sld [smem:$0x3FAA]  }
0x2b: {  	s6 =	sld [smem:$0x3FAB]  }
0x2c: {  	s7 =	sld [smem:$0x3FAC]  }
0x2d: {  	s3 =	simm.s32 $0x108;
	s8 =	sld [smem:$0x3FAD]  }
0x2e: {  	s3 =	simm.s32 @!p0 $0x1082;
	s9 =	sld [smem:$0x3FAE]  }
0x2f: {  	lr =	sadd.s32 s0, s3;
	s0 =	sld [smem:$0x3FA5]  }
0x30: {  	s3 =	sld [smem:$0x3FA8]  }
0x31: {  	[smem:$0x3FB1] =	sst s10  }
0x32: {  	s10 =	sld [smem:$0x3FAF];
	_ =	sdelay $0x3  }
0x33: {  	p0 =	seq.s32 s10, $0x1;
	s10 =	sld [smem:$0x3FB1];
	_ =	sdelay $0x3  }
0x34: {  	[smem:$0x3FB1] =	sst s10  }
0x35: {  	s10 =	sld [smem:$0x3FB0];
	_ =	sdelay $0x3  }
0x36: {  	p1 =	seq.s32 s10, $0x1;
	s10 =	sld [smem:$0x3FB1];
	_ =	sdelay $0x3  }
0x37: {  	[smem:$0x3FB1] =	sst s10  }
0x38: {  	s10 =	sld [smem:$0x3FB2]  }
0x39: {  	_ = 	snop;
	(pc) =	sbr.ind lr, $3  }
0x3a: {  	_ = 	snop  }
0x3b: {  	_ = 	snop  }
0x3c: {  	p2 =	seq.s32 s10, $0x1;
	s10 =	sld [smem:$0x3FB1]  }
0x3d: {  	_ =	shalt  }
0x3e: {  	_ =	shalt  }
0x3f: {  	_ =	shalt  }
0x40: {  	_ =	shalt  }
0x41: {  	_ =	shalt  }
0x42: {  	_ =	shalt  }
0x43: {  	_ =	shalt  }
0x44: {  	_ =	shalt  }
0x45: {  	_ =	shalt  }
0x46: {  	_ =	shalt  }
0x47: {  	_ =	shalt  }
0x48: {  	_ =	shalt  }
0x49: {  	_ =	shalt  }
0x4a: {  	_ =	shalt  }
0x4b: {  	_ =	shalt  }
0x4c: {  	_ =	shalt  }
0x4d: {  	_ =	shalt  }
0x4e: {  	_ =	shalt  }
0x4f: {  	_ =	shalt  }
0x50: {  	_ =	shalt  }
0x51: {  	_ =	shalt  }
0x52: {  	_ =	shalt  }
0x53: {  	_ =	shalt  }
0x54: {  	_ =	shalt  }
0x55: {  	_ =	shalt  }
0x56: {  	_ =	shalt  }
0x57: {  	_ =	shalt  }
0x58: {  	_ =	shalt  }
0x59: {  	_ =	shalt  }
0x5a: {  	_ =	shalt  }
0x5b: {  	_ =	shalt  }
0x5c: {  	_ =	shalt  }
0x5d: {  	_ =	shalt  }
0x5e: {  	_ =	shalt  }
0x5f: {  	_ =	shalt  }
0x60: {  	_ =	shalt  }
0x61: {  	_ =	shalt  }
0x62: {  	_ =	shalt  }
0x63: {  	_ =	shalt  }
0x64: {  	_ =	shalt  }
0x65: {  	_ =	shalt  }
0x66: {  	_ =	shalt  }
0x67: {  	_ =	shalt  }
0x68: {  	_ =	shalt  }
0x69: {  	_ =	shalt  }
0x6a: {  	_ =	shalt  }
0x6b: {  	_ =	shalt  }
0x6c: {  	_ =	shalt  }
0x6d: {  	_ =	shalt  }
0x6e: {  	_ =	shalt  }
0x6f: {  	_ =	shalt  }
0x70: {  	_ =	shalt  }
0x71: {  	_ =	shalt  }
0x72: {  	_ =	shalt  }
0x73: {  	_ =	shalt  }
0x74: {  	_ =	shalt  }
0x75: {  	_ =	shalt  }
0x76: {  	_ =	shalt  }
0x77: {  	_ =	shalt  }
0x78: {  	_ =	shalt  }
0x79: {  	_ =	shalt  }
0x7a: {  	_ =	shalt  }
0x7b: {  	_ =	shalt  }
0x7c: {  	_ =	shalt  }
0x7d: {  	_ =	shalt  }
0x7e: {  	_ =	shalt  }
0x7f: {  	_ =	shalt  }
0x80: {  	_ =	shalt  }
0x81: {  	_ =	shalt  }
0x82: {  	_ =	shalt  }
0x83: {  	_ =	shalt  }
0x84: {  	_ =	shalt  }
0x85: {  	_ =	shalt  }
0x86: {  	_ =	shalt  }
0x87: {  	_ =	shalt  }
.Lfunc_end0:
.L_simem_size_0:
called_computation.2_lowered:
.L_overlay_start_0:
0x88: {  	s2 =	sld [smem:$0x3FD9]  }
0x89: {  	s3 =	sld [smem:$0x3FFE];
	_ =	sdelay $0x1  }
0x8a: {  	s1 =	srdreg.scid  }
0x8b: {  	s0 =	sand.u32 $0x1, s1  }
0x8c: {  	s16 =	sshll.u32 s0, $0xA;
	s2 =	sadd.s32 s3, s2  }
0x8d: {  	s2 =	sadd.s32 s2, s16  }
0x8e: {  	[smem:$0x3FBD] =	sst s2  }
0x8f: {  	_ = 	snop  }
0x90: {  	(tm) =	ssettm $0x1  }
0x91: {  	s17 =	sld [smem:$0x3FFB];
	_ =	sdelay $0x3  }
0x92: {  	_ =	strace s17  }
0x93: {  	s2 =	sld [smem:$0x3FFC];
	_ =	sdelay $0x3  }
0x94: {  	_ =	strace s2  }
0x95: {  	s2 =	sld [smem:$0x3FFD];
	_ =	sdelay $0x3  }
0x96: {  	_ =	strace s2  }
0x97: {  	_ =	strace $0x8FFFFFFF  }
0x98: {  	s18 =	sld [smem:$0x3FDB];
	_ =	sdelay $0x1  }
0x99: {  	s19 =	simm.s32 $_scs_section_size  }
0x9a: {  	s4 =	simm.s32 $_size__tile_overlayer_lowered;
	s5 =	simm.s32 $_tile_overlayer_lowered  }
0x9b: {  	s22 =	simm.s32 $0x1BFF;
	s21 =	sshll.u32 s5, $0x1;
	s2 =	sadd.s32 s19, s18  }
0x9c: {  	s6 =	simm.s32 $0x0;
	s20 =	sshll.u32 s4, $0x1;
	s4 =	sadd.s32 s21, s2  }
0x9d: {  	[timem:s6], [sflag:s22] =	dma.local [hbm:s4], s20  }
0x9e: {  	_ =	swait.ge [sflag:s22], s20  }
0x9f: {  	s3 =	ssub.s32 $0x0, s20;
	[sflag:s22] =	ssyncset.done $0x0  }
0xa0: {  	[sflag:s22] =	ssyncadd.s32 s3;
	_ =	sdelay $0x1  }
0xa1: {  	s23 =	simm.s32 $0x1B8B  }
0xa2: {  	_ =	swait.ge [sflag:s23], $0x1  }
0xa3: {  	[sflag:s23] =	ssyncset.done $0x0  }
0xa4: {  	s25 =	simm.s32 $0x1B8E;
	s24 =	sld [smem:$0x3FFE];
	[sflag:s23] =	ssyncadd.s32 $0xFFFFFFFF  }
0xa5: {  	s26 =	simm.s32 $execute0_lowered;
	[smem:$0x3FD2] =	sst s25  }
0xa6: {  	s4 =	sshll.u32 s26, $0x1;
	_ =	strace $0x8000004C;
	[dreg:$0x1] =	wrdreg $0xFFFFFFFF  }
0xa7: {  	s28 =	simm.s32 $_size_execute0_lowered;
	s2 =	sadd.s32 s2, s4;
	[dreg:$0x0] =	wrdreg $0x0  }
0xa8: {  	s4 =	sshll.u32 s28, $0x1;
	[dreg:$0x2] =	wrdreg s2  }
0xa9: {  	[dreg:$0x3] =	wrdreg s4  }
0xaa: {  	[dreg:$0x4] =	wrdreg $0xC0  }
0xab: {  	_ =	task [dreg:s6], $0x5FFFF  }
0xac: {  	[dreg:$0x1] =	wrdreg $0xFFFFFFFF  }
0xad: {  	[dreg:$0x0] =	wrdreg $0x60  }
0xae: {  	[dreg:$0x2] =	wrdreg s24  }
0xaf: {  	[dreg:$0x3] =	wrdreg $0xFB000  }
0xb0: {  	[dreg:$0x4] =	wrdreg $0x5E800  }
0xb1: {  	[dreg:$0x5] =	wrdreg $0x9  }
0xb2: {  	_ =	task.clear_ibuf [dreg:s6], $0x6FFFF;
	_ =	strace $0x9000004C  }
0xb3: {  	s29 =	simm.s32 $0x9;
	_ =	strace $0x8000004E  }
0xb4: {  	_ =	swait.ge [sflag:s29], $0x1  }
0xb5: {  	[sflag:s29] =	ssyncadd.s32 $0xFFFFFFFF  }
0xb6: {  	_ =	strace $0x9000004E  }
0xb7: {  	_ =	sfence  }
0xb8: {  	s30 =	sld [smem:$0x0];
	_ =	sdelay $0x2  }
0xb9: {  	s31 =	sshll.u32 s1, $0xD;
	s1 =	sshrl.u32 s1, $0x2  }
0xba: {  	s3 =	sand.u32 $0x4000, s31;
	s1 =	sadd.s32 s1, s30  }
0xbb: {  	s0 =	sor.u32 s3, s0;
	s1 =	sshll.u32 s1, $0x11  }
0xbc: {  	s0 =	sor.u32 s1, s0  }
0xbd: {  	s0 =	sadd.s32 $0x8F2B, s0  }
0xbe: {  	[sflag:s0] =	ssyncadd.remote.s32 $0x1  }
0xbf: {  	_ =	sfence.sel $0xFFFF  }
0xc0: {  	[dreg:$0x0] =	wrdreg $0xFFFFFFFF;
	(pc) =	sbr.abs _section_cstart, $3  }
0xc1: {  	[dreg:$0x1] =	wrdreg $0xFFFFFFFF  }
0xc2: {  	_ =	task.clear_ibuf [dreg:s6], $0x2FFFF;
	_ =	strace $0x9FFFFFFF  }
0xc3: {  	(tm) =	ssettm $0x7FFFFFFF  }
tec
execute0_lowered:
.L_overlay_start_1:
0x0: {  	(tag) =	ssettag $0x1  }
0x1: {  	s9 =	rddreg [dreg:$0x0]  }
0x2: {  	s1 =	rddreg [dreg:$0x1]  }
0x3: {  	s3 =	rddreg [dreg:$0x2];
	s0 =	stileid.u32  }
0x4: {  	s2 =	srdreg.scid;
	s4 =	simm.s32 $0x0;
	s20 =	simm.s32 $0x2740  }
0x5: {  	s21 =	simm.s32 $0x40;
	s22 =	simm.s32 $0x4E80;
	s11 =	smul.u32 $0x9C00, s0  }
0x6: {  	s16 =	sand.u32 $0x1, s2;
	s5 =	sshll.u32 s0, $0x1;
	s2 =	rddreg [dreg:$0x3]  }
0x7: {  	[smem:$0x7FF] =	sst s4;
	s14 =	sadd.s32 $0x2A000, s9;
	s10 =	smul.u32 $0x27000, s0  }
0x8: {  	s19 =	sadd.s32 $0x92400, s1;
	p1 =	seq.s32 s0, $0xF;
	s5 =	sor.u32 s16, s5  }
0x9: {  	_ =	strace $0x8000004D;
	s31 =	ssub.s32 $0x2, s16;
	s13 =	smul.u32 $0x9C400, s16  }
0xa: {  	p0 =	seq.s32 s16, $0x1;
	p2 =	sne.s32 s16, $0x0;
	s16 =	simm.s32 $0x1FC1  }
0xb: {  	s6 =	sshrl.u32 s11, $0x3;
	s5 =	smul.u32 $0x4E8, s5;
	s8 =	sshrl.u32 s31, $0x1  }
0xc: {  	s10 =	sshrl.u32 s10, $0x2;
	s7 =	sadd.s32 s6, s9;
	s15 =	ssub.s32 s31, s8  }
0xd: {  	s6 =	sadd.s32 s11, s1;
	s8 =	sadd.s32 s11, s3;
	s23 =	sadd.s32 s10, s3  }
0xe: {  	s10 =	sadd.s32 $0x92400, s3;
	s17 =	sadd.s32 s11, s13;
	s18 =	sshrl.u32 s13, $0x3  }
0xf: {  	s12 =	sadd.s32 s5, s9;
	s5 =	sadd.s32 $0x28C00, s9;
	s7 =	sadd.s32 $0x1600, s7  }
0x10: {  	s9 =	sadd.s32 $0x13A80, s9;
	s17 =	sshrl.u32 s17, $0x3;
	s15 =	smax.u32 s15, $0x1  }
0x11: {  	s23 =	sshrl.u32 @p0 s23, $0x3;
	s11 =	sadd.s32 $0x1EE00, s12;
	s12 =	sadd.s32 $0x15000, s12  }
0x12: {  	s13 =	sadd.s32 s14, s17;
	s14 =	sadd.s32 s14, s18;
	s17 =	sshrl.u32 s19, $0x3  }
0x13: {  	s18 =	simm.s32 $0x1;
	s19 =	sshrl.u32 @!p2 s19, $0x3;
	s14 =	sadd.s32 $0x12480, s14  }
.LBB2_1:
.Ltmp0:
0x14: {  	(pc) =	sbr.rel @!p1 .LBB2_2-.Ltmp0, $1  }
0x15: {  	_ =	sdelay $0x3  }
0x16: {  	[spmem:s17], [sflag:s16] =	dma.local [hbm:s9], $0x1400  }
0x17: {  	_ =	swait.ge [sflag:s18], $0x1400  }
0x18: {  	[sflag:s18] =	ssyncset.done $0x0  }
0x19: {  	s24 =	sshrl.u32 @!p2 s10, $0x3;
	[sflag:s18] =	ssyncadd.s32 $0xFFFFEC00  }
0x1a: {  	[spmem:s24], [sflag:s16] =	dma.local @!p2 [spmem:s19], $0x1400  }
0x1b: {  	s24 =	simm.s32 @!p2 $0x1  }
0x1c: {  	_ =	swait.ge @!p2 [sflag:s24], $0x1400  }
0x1d: {  	[sflag:s24] =	ssyncset.done @!p2 $0x0  }
0x1e: {  	[sflag:s24] =	ssyncadd.s32 @!p2 $0xFFFFEC00;
	s24 =	sshrl.u32 @p0 s10, $0x3  }
0x1f: {  	[spmem:s24], [sflag:s16] =	dma.local @p0 [hbm:s5], $0x1400  }
.Ltmp1:
0x20: {  	_ = 	snop;
	(pc) =	sbr.rel .LBB2_4-.Ltmp1, $4  }
0x21: {  	s24 =	simm.s32 @p0 $0x1  }
0x22: {  	_ =	swait.ge @p0 [sflag:s24], $0x1400  }
0x23: {  	[sflag:s24] =	ssyncset.done @p0 $0x0  }
0x24: {  	[sflag:s24] =	ssyncadd.s32 @p0 $0xFFFFEC00  }
.LBB2_2:
0x25: {  	s24 =	sshll.u32 s0, $0x6  }
0x26: {  	s25 =	sshrl.u32 s6, $0x3;
	s24 =	sor.u32 $0x1C01, s24  }
0x27: {  	[spmem:s25], [sflag:s24] =	dma.local [hbm:s7], $0x1380  }
0x28: {  	_ =	swait.ge [sflag:s18], $0x1380  }
0x29: {  	[sflag:s18] =	ssyncset.done $0x0  }
0x2a: {  	s26 =	sshrl.u32 @!p2 s8, $0x3;
	s25 =	sshrl.u32 @!p2 s6, $0x3;
	[sflag:s18] =	ssyncadd.s32 $0xFFFFEC80  }
0x2b: {  	[spmem:s26], [sflag:s24] =	dma.local @!p2 [spmem:s25], $0x1380  }
0x2c: {  	s25 =	simm.s32 @!p2 $0x1  }
0x2d: {  	_ =	swait.ge @!p2 [sflag:s25], $0x1380  }
0x2e: {  	[sflag:s25] =	ssyncset.done @!p2 $0x0  }
0x2f: {  	[sflag:s25] =	ssyncadd.s32 @!p2 $0xFFFFEC80  }
0x30: {  	[spmem:s23], [sflag:s24] =	dma.local @p0 [hbm:s5], $0x1380  }
0x31: {  	s24 =	simm.s32 @p0 $0x1  }
0x32: {  	_ =	swait.ge @p0 [sflag:s24], $0x1380  }
0x33: {  	[sflag:s24] =	ssyncset.done @p0 $0x0  }
0x34: {  	[sflag:s24] =	ssyncadd.s32 @p0 $0xFFFFEC80  }
.LBB2_4:
0x35: {  	s24 =	simm.s32 $0x0  }
0x36: {  	[tilespmem:s24], [sflag:$0x1] =	stream.linear.gather [hbm4b:s11+s24], $0x2740, $0x38;
	[tilespmem:$0x19740] =	vst v63  }
0x37: {  	_ =	swait.ge [sflag:s18], $0x2740  }
0x38: {  	[sflag:s18] =	ssyncset.done $0x0  }
0x39: {  	[sflag:s18] =	ssyncadd.s32 $0xFFFFD8C0  }
0x3a: {  	[tilespmem:s20], [sflag:$0x1] =	stream.linear.gather [hbm4b:s12+s24], $0x2740, $0x38;
	[tilespmem:$0x19740] =	vst v63  }
0x3b: {  	_ =	swait.ge [sflag:s18], $0x2740  }
0x3c: {  	[sflag:s18] =	ssyncset.done $0x0  }
0x3d: {  	[sflag:s18] =	ssyncadd.s32 $0xFFFFD8C0  }
0x3e: {  	s30 =	simm.s32 $0x0;
	[bflag:$0x0] =	sbarrier.arrive $0xFFFF  }
0x3f: {  	[tilespmem:s22], [sflag:$0x1] =	stream.indirect.gather [spmem:s1], $0x40, s30, s21, $0xb8;
	[tilespmem:$0x19740] =	vst v63  }
0x40: {  	_ =	swait.ge [sflag:s18], $0x1000  }
0x41: {  	[sflag:s18] =	ssyncset.done $0x0  }
0x42: {  	s31 =	simm.s32 $0x2740;
	[sflag:s18] =	ssyncadd.s32 $0xFFFFF000  }
0x43: {  	[spmem:s3] =	stream.indirect.scatter.add.f32 [tilespmem:s22], [sflag:$0x1], $0x40, s31, s21, $0xb8;
	[tilespmem:$0x19740] =	vst v63  }
0x44: {  	_ =	swait.ge [sflag:s18], $0x1000  }
0x45: {  	s25 =	simm.s32 $0x200;
	s24 =	simm.s32 $0x100;
	[sflag:s18] =	ssyncset.done $0x0  }
.LBB2_5:
0x46: {  	s26 =	sshra.s32 s24, $0x2  }
0x47: {  	[sflag:s18] =	ssyncadd.s32 $0xFFFFF000;
	s24 =	smov.u32 s25;
	s28 =	sadd.s32 $0x100, s25  }
0x48: {  	[tilespmem:s22], [sflag:$0x1] =	stream.indirect.gather [spmem:s1], $0x40, s26, s21, $0xb8;
	[tilespmem:$0x19740] =	vst v63  }
0x49: {  	p3 =	sne.s32 s25, $0x9C00;
	_ =	swait.ge [sflag:s18], $0x1000  }
.Ltmp2:
0x4a: {  	[sflag:s18] =	ssyncset.done $0x0;
	(pc) =	sbr.rel @p3 .LBB2_5-.Ltmp2, $4  }
0x4b: {  	s25 =	sadd.s32 $0x2740, s26;
	[sflag:s18] =	ssyncadd.s32 $0xFFFFF000  }
0x4c: {  	[spmem:s3] =	stream.indirect.scatter.add.f32 [tilespmem:s22], [sflag:$0x1], $0x40, s25, s21, $0xb8;
	[tilespmem:$0x19740] =	vst v63  }
0x4d: {  	_ =	swait.ge [sflag:s18], $0x1000  }
0x4e: {  	s25 =	smov.u32 s28;
	[sflag:s18] =	ssyncset.done $0x0  }
0x4f: {  	s24 =	sshra.s32 s24, $0x2;
	[sflag:s18] =	ssyncadd.s32 $0xFFFFF000  }
0x50: {  	[tilespmem:s22], [sflag:$0x1] =	stream.indirect.gather [spmem:s1], $0x40, s24, s21, $0xb8;
	[tilespmem:$0x19740] =	vst v63  }
0x51: {  	_ =	swait.ge [sflag:s18], $0x1000  }
0x52: {  	[sflag:s18] =	ssyncset.done $0x0  }
0x53: {  	s24 =	sadd.s32 $0x2740, s24;
	[sflag:s18] =	ssyncadd.s32 $0xFFFFF000  }
0x54: {  	[spmem:s3] =	stream.indirect.scatter.add.f32 [tilespmem:s22], [sflag:$0x1], $0x40, s24, s21, $0xb8;
	[tilespmem:$0x19740] =	vst v63  }
0x55: {  	_ =	swait.ge [sflag:s18], $0x1000  }
0x56: {  	[sflag:s18] =	ssyncset.done $0x0  }
0x57: {  	[sflag:s18] =	ssyncadd.s32 $0xFFFFF000  }
0x58: {  	s25 =	simm.s32 @p1 $0x1FC1;
	s24 =	sshrl.u32 @p1 s10, $0x3;
	[bflag:$0x0] =	sbarrier.arrive $0xFFFF  }
0x59: {  	[hbm:s14], [sflag:s25] =	dma.local @p1 [spmem:s24], $0x1400  }
0x5a: {  	s24 =	simm.s32 @p1 $0x1  }
0x5b: {  	s4 =	sadd.s32 $0x1, s4;
	_ =	swait.ge @p1 [sflag:s24], $0x1400  }
0x5c: {  	p3 =	sne.s32 s4, s15;
	s25 =	sshll.u32 @!p1 s0, $0x6;
	[sflag:s24] =	ssyncset.done @p1 $0x0  }
0x5d: {  	[sflag:s24] =	ssyncadd.s32 @p1 $0xFFFFEC00;
	s24 =	sor.u32 @!p1 $0x1C01, s25;
	s25 =	sshrl.u32 @!p1 s8, $0x3  }
0x5e: {  	[hbm:s13], [sflag:s24] =	dma.local @!p1 [spmem:s25], $0x1380  }
.Ltmp3:
0x5f: {  	_ = 	snop;
	(pc) =	sbr.rel @p3 .LBB2_1-.Ltmp3, $4  }
0x60: {  	s24 =	simm.s32 @!p1 $0x1  }
0x61: {  	_ =	swait.ge @!p1 [sflag:s24], $0x1380  }
0x62: {  	[sflag:s24] =	ssyncset.done @!p1 $0x0  }
0x63: {  	[sflag:s24] =	ssyncadd.s32 @!p1 $0xFFFFEC80  }
0x64: {  	_ =	sfence.sel $0x180000  }
0x65: {  	[bflag:$0x0] =	sbarrier.arrive $0xFFFF  }
0x66: {  	p0 =	sne.s32 s0, $0x0;
	_ =	strace $0x9000004D  }
0x67: {  	s0 =	sadd.s32 @!p0 $0x100000, s2;
	[bflag:$0x2] =	sbarrier.arrive $0xFFFF  }
0x68: {  	[sflag:s0] =	ssyncadd.tile.s32 @!p0 $0x1;
	_ =	shalt  }
.Lfunc_end2:
_tile_overlayer_lowered:
.L_overlay_start_2:
0x69: {  	(tag) =	ssettag $0x2  }
0x6a: {  	s0 =	rddreg [dreg:$0x0];
	s2 =	stileid.u32  }
0x6b: {  	s1 =	rddreg [dreg:$0x1];
	p0 =	sne.s32 s2, $0x0  }
0x6c: {  	s3 =	rddreg [dreg:$0x2];
	[bflag:$0x3] =	sbarrier.arrive $0xFFFF;
	s2 =	simm.s32 @!p0 $0x1C01  }
0x6d: {  	[timem:s3], [sflag:s2] =	dma.local @!p0 [hbm:s0], s1  }
0x6e: {  	s0 =	simm.s32 @!p0 $0x1  }
0x6f: {  	_ =	swait.ge @!p0 [sflag:s0], s1  }
0x70: {  	s1 =	ssub.s32 @!p0 $0x0, s1;
	[sflag:s0] =	ssyncset.done @!p0 $0x0  }
0x71: {  	[sflag:s0] =	ssyncadd.s32 @!p0 s1  }
0x72: {  	[bflag:$0x3] =	sbarrier.arrive $0xFFFF  }
0x73: {  	_ =	shalt  }

// kernel: kernel.9.cloned.1.call-start
scs
__scs_entry_jumppad:
0x0: {  	(pc) =	sbr.rel $0x88, $3  }
0x1: {  	(tag) =	ssettag $0x0;
	lr =	simm.s32 $0x1  }
0x2: {  	[smem:$0x3F96] =	sst lr;
	_ =	strace $0xD0000000  }
0x3: {  	_ = 	snop  }
0x4: {  	_ = 	snop  }
0x5: {  	_ = 	snop  }
0x6: {  	_ = 	snop  }
0x7: {  	_ = 	snop  }
__scs_overlays_trampoline_lowered:
0x8: {  	[smem:$0x3FA5] =	sst s0  }
0x9: {  	[smem:$0x3FA6] =	sst s1  }
0xa: {  	[smem:$0x3FA7] =	sst s2  }
0xb: {  	[smem:$0x3FA8] =	sst s3  }
0xc: {  	[smem:$0x3FA9] =	sst s4  }
0xd: {  	[smem:$0x3FAA] =	sst s5  }
0xe: {  	[smem:$0x3FAB] =	sst s6  }
0xf: {  	[smem:$0x3FAC] =	sst s7  }
0x10: {  	[smem:$0x3FAD] =	sst s8  }
0x11: {  	[smem:$0x3FAE] =	sst s9;
	s0 =	simm.s32 @!p0 $0x0  }
0x12: {  	s1 =	sld [smem:$0x3F94];
	s0 =	simm.s32 @p0 $0x1  }
0x13: {  	[smem:$0x3FAF] =	sst s0;
	s0 =	simm.s32 @!p1 $0x0  }
0x14: {  	s2 =	sld [smem:$0x3F93];
	s0 =	simm.s32 @p1 $0x1  }
0x15: {  	[smem:$0x3FB0] =	sst s0;
	s0 =	simm.s32 @!p2 $0x0  }
0x16: {  	s3 =	sld [smem:$0x3FDB];
	s0 =	simm.s32 @p2 $0x1  }
0x17: {  	s4 =	simm.s32 $0x1BF5;
	[smem:$0x3FB2] =	sst s0  }
0x18: {  	s0 =	sld [smem:$0x3F95];
	_ =	swait.ge [sflag:s4], $0x0  }
0x19: {  	s7 =	sld [smem:$0x3F96]  }
0x1a: {  	s8 =	sadd.s32 $0xFFFFE003, lr  }
0x1b: {  	s9 =	sadd.s32 $0xFFFFFEF7, lr;
	s5 =	simm.s32 $0xFFFFFFFF;
	p2 =	slt.u32 s8, $0xFFFFF086  }
0x1c: {  	p1 =	slt.u32 s9, $0xF7A;
	s5 =	simm.s32 @!p2 $0x0  }
0x1d: {  	s5 =	simm.s32 @p1 $0x1;
	p0 =	seq.s32 s7, s2  }
0x1e: {  	s7 =	smul.u32 @!p0 $0xF7A, s2;
	p2 =	seq.s32 @!p0 s5, $0x0  }
0x1f: {  	s9 =	smul.u32 $0xF7A, s1;
	s8 =	simm.s32 @!p0 $0x1BF5;
	p2 =	por !p2, p0  }
0x20: {  	[sflag:s8] =	ssyncset.s32 @!p0 $0xFFFFF086;
	s6 =	sadd.s32 @!p0 s3, s7;
	s7 =	simm.s32 @!p0 $0x108  }
0x21: {  	s3 =	sadd.s32 s3, s9;
	s6 =	sadd.s32 @!p0 $0x88, s6;
	s7 =	simm.s32 @p2 $0x1082  }
0x22: {  	[simem:s7], [sflag:s8] =	dma.local @!p0 [hbm:s6], $0xF7A  }
0x23: {  	s9 =	sor.u32 $0xD0000000, s2;
	s6 =	simm.s32 $0x108;
	_ =	swait.ge @!p0 [sflag:s8], $0x0  }
0x24: {  	s3 =	sadd.s32 $0x88, s3;
	s6 =	simm.s32 @!p1 $0x1082;
	[sflag:s4] =	ssyncset.s32 $0xFFFFF086  }
0x25: {  	[simem:s6], [sflag:s4] =	dma.local [hbm:s3], $0xF7A  }
0x26: {  	[smem:$0x3F96] =	sst s1;
	(tag) =	ssettag s2;
	_ =	strace s9  }
0x27: {  	s1 =	sld [smem:$0x3FA6]  }
0x28: {  	s2 =	sld [smem:$0x3FA7]  }
0x29: {  	s4 =	sld [smem:$0x3FA9]  }
0x2a: {  	p0 =	seq.s32 s5, $0x0;
	s5 =	sld [smem:$0x3FAA]  }
0x2b: {  	s6 =	sld [smem:$0x3FAB]  }
0x2c: {  	s7 =	sld [smem:$0x3FAC]  }
0x2d: {  	s3 =	simm.s32 $0x108;
	s8 =	sld [smem:$0x3FAD]  }
0x2e: {  	s3 =	simm.s32 @!p0 $0x1082;
	s9 =	sld [smem:$0x3FAE]  }
0x2f: {  	lr =	sadd.s32 s0, s3;
	s0 =	sld [smem:$0x3FA5]  }
0x30: {  	s3 =	sld [smem:$0x3FA8]  }
0x31: {  	[smem:$0x3FB1] =	sst s10  }
0x32: {  	s10 =	sld [smem:$0x3FAF];
	_ =	sdelay $0x3  }
0x33: {  	p0 =	seq.s32 s10, $0x1;
	s10 =	sld [smem:$0x3FB1];
	_ =	sdelay $0x3  }
0x34: {  	[smem:$0x3FB1] =	sst s10  }
0x35: {  	s10 =	sld [smem:$0x3FB0];
	_ =	sdelay $0x3  }
0x36: {  	p1 =	seq.s32 s10, $0x1;
	s10 =	sld [smem:$0x3FB1];
	_ =	sdelay $0x3  }
0x37: {  	[smem:$0x3FB1] =	sst s10  }
0x38: {  	s10 =	sld [smem:$0x3FB2]  }
0x39: {  	_ = 	snop;
	(pc) =	sbr.ind lr, $3  }
0x3a: {  	_ = 	snop  }
0x3b: {  	_ = 	snop  }
0x3c: {  	p2 =	seq.s32 s10, $0x1;
	s10 =	sld [smem:$0x3FB1]  }
0x3d: {  	_ =	shalt  }
0x3e: {  	_ =	shalt  }
0x3f: {  	_ =	shalt  }
0x40: {  	_ =	shalt  }
0x41: {  	_ =	shalt  }
0x42: {  	_ =	shalt  }
0x43: {  	_ =	shalt  }
0x44: {  	_ =	shalt  }
0x45: {  	_ =	shalt  }
0x46: {  	_ =	shalt  }
0x47: {  	_ =	shalt  }
0x48: {  	_ =	shalt  }
0x49: {  	_ =	shalt  }
0x4a: {  	_ =	shalt  }
0x4b: {  	_ =	shalt  }
0x4c: {  	_ =	shalt  }
0x4d: {  	_ =	shalt  }
0x4e: {  	_ =	shalt  }
0x4f: {  	_ =	shalt  }
0x50: {  	_ =	shalt  }
0x51: {  	_ =	shalt  }
0x52: {  	_ =	shalt  }
0x53: {  	_ =	shalt  }
0x54: {  	_ =	shalt  }
0x55: {  	_ =	shalt  }
0x56: {  	_ =	shalt  }
0x57: {  	_ =	shalt  }
0x58: {  	_ =	shalt  }
0x59: {  	_ =	shalt  }
0x5a: {  	_ =	shalt  }
0x5b: {  	_ =	shalt  }
0x5c: {  	_ =	shalt  }
0x5d: {  	_ =	shalt  }
0x5e: {  	_ =	shalt  }
0x5f: {  	_ =	shalt  }
0x60: {  	_ =	shalt  }
0x61: {  	_ =	shalt  }
0x62: {  	_ =	shalt  }
0x63: {  	_ =	shalt  }
0x64: {  	_ =	shalt  }
0x65: {  	_ =	shalt  }
0x66: {  	_ =	shalt  }
0x67: {  	_ =	shalt  }
0x68: {  	_ =	shalt  }
0x69: {  	_ =	shalt  }
0x6a: {  	_ =	shalt  }
0x6b: {  	_ =	shalt  }
0x6c: {  	_ =	shalt  }
0x6d: {  	_ =	shalt  }
0x6e: {  	_ =	shalt  }
0x6f: {  	_ =	shalt  }
0x70: {  	_ =	shalt  }
0x71: {  	_ =	shalt  }
0x72: {  	_ =	shalt  }
0x73: {  	_ =	shalt  }
0x74: {  	_ =	shalt  }
0x75: {  	_ =	shalt  }
0x76: {  	_ =	shalt  }
0x77: {  	_ =	shalt  }
0x78: {  	_ =	shalt  }
0x79: {  	_ =	shalt  }
0x7a: {  	_ =	shalt  }
0x7b: {  	_ =	shalt  }
0x7c: {  	_ =	shalt  }
0x7d: {  	_ =	shalt  }
0x7e: {  	_ =	shalt  }
0x7f: {  	_ =	shalt  }
0x80: {  	_ =	shalt  }
0x81: {  	_ =	shalt  }
0x82: {  	_ =	shalt  }
0x83: {  	_ =	shalt  }
0x84: {  	_ =	shalt  }
0x85: {  	_ =	shalt  }
0x86: {  	_ =	shalt  }
0x87: {  	_ =	shalt  }
.Lfunc_end0:
.L_simem_size_0:
called_computation_lowered:
.L_overlay_start_0:
0x88: {  	s2 =	sld [smem:$0x3FD9]  }
0x89: {  	s3 =	sld [smem:$0x3FFE];
	_ =	sdelay $0x1  }
0x8a: {  	s1 =	srdreg.scid  }
0x8b: {  	s0 =	sand.u32 $0x1, s1  }
0x8c: {  	s16 =	sshll.u32 s0, $0xA;
	s2 =	sadd.s32 s3, s2  }
0x8d: {  	s2 =	sadd.s32 s2, s16  }
0x8e: {  	[smem:$0x3FBD] =	sst s2  }
0x8f: {  	_ = 	snop  }
0x90: {  	(tm) =	ssettm $0x1  }
0x91: {  	s17 =	sld [smem:$0x3FFB];
	_ =	sdelay $0x3  }
0x92: {  	_ =	strace s17  }
0x93: {  	s2 =	sld [smem:$0x3FFC];
	_ =	sdelay $0x3  }
0x94: {  	_ =	strace s2  }
0x95: {  	s2 =	sld [smem:$0x3FFD];
	_ =	sdelay $0x3  }
0x96: {  	_ =	strace s2  }
0x97: {  	_ =	strace $0x8FFFFFFF  }
0x98: {  	s18 =	sld [smem:$0x3FDB];
	_ =	sdelay $0x1  }
0x99: {  	s19 =	simm.s32 $_scs_section_size  }
0x9a: {  	s4 =	simm.s32 $_size__tile_overlayer_lowered;
	s5 =	simm.s32 $_tile_overlayer_lowered  }
0x9b: {  	s22 =	simm.s32 $0x1BFF;
	s21 =	sshll.u32 s5, $0x1;
	s2 =	sadd.s32 s19, s18  }
0x9c: {  	s6 =	simm.s32 $0x0;
	s20 =	sshll.u32 s4, $0x1;
	s4 =	sadd.s32 s21, s2  }
0x9d: {  	[timem:s6], [sflag:s22] =	dma.local [hbm:s4], s20  }
0x9e: {  	_ =	swait.ge [sflag:s22], s20  }
0x9f: {  	s3 =	ssub.s32 $0x0, s20;
	[sflag:s22] =	ssyncset.done $0x0  }
0xa0: {  	[sflag:s22] =	ssyncadd.s32 s3;
	_ =	sdelay $0x1  }
0xa1: {  	s23 =	simm.s32 $0x1B8B  }
0xa2: {  	_ =	swait.ge [sflag:s23], $0x1  }
0xa3: {  	[sflag:s23] =	ssyncset.done $0x0  }
0xa4: {  	s25 =	simm.s32 $0x1B8E;
	s24 =	sld [smem:$0x3FFE];
	[sflag:s23] =	ssyncadd.s32 $0xFFFFFFFF  }
0xa5: {  	s26 =	simm.s32 $execute0_lowered;
	[smem:$0x3FD2] =	sst s25  }
0xa6: {  	s4 =	sshll.u32 s26, $0x1;
	_ =	strace $0x80000046;
	[dreg:$0x1] =	wrdreg $0xFFFFFFFF  }
0xa7: {  	s28 =	simm.s32 $_size_execute0_lowered;
	s2 =	sadd.s32 s2, s4;
	[dreg:$0x0] =	wrdreg $0x0  }
0xa8: {  	s4 =	sshll.u32 s28, $0x1;
	[dreg:$0x2] =	wrdreg s2  }
0xa9: {  	[dreg:$0x3] =	wrdreg s4  }
0xaa: {  	[dreg:$0x4] =	wrdreg $0xC0  }
0xab: {  	_ =	task [dreg:s6], $0x5FFFF  }
0xac: {  	[dreg:$0x1] =	wrdreg $0xFFFFFFFF  }
0xad: {  	[dreg:$0x0] =	wrdreg $0x60  }
0xae: {  	[dreg:$0x2] =	wrdreg s24  }
0xaf: {  	[dreg:$0x3] =	wrdreg $0xFB000  }
0xb0: {  	[dreg:$0x4] =	wrdreg $0x5E800  }
0xb1: {  	[dreg:$0x5] =	wrdreg $0x9  }
0xb2: {  	_ =	task.clear_ibuf [dreg:s6], $0x6FFFF;
	_ =	strace $0x90000046  }
0xb3: {  	s29 =	simm.s32 $0x9;
	_ =	strace $0x80000048  }
0xb4: {  	_ =	swait.ge [sflag:s29], $0x1  }
0xb5: {  	[sflag:s29] =	ssyncadd.s32 $0xFFFFFFFF  }
0xb6: {  	_ =	strace $0x90000048  }
0xb7: {  	_ =	sfence  }
0xb8: {  	s30 =	sld [smem:$0x0];
	_ =	sdelay $0x2  }
0xb9: {  	s31 =	sshll.u32 s1, $0xD;
	s1 =	sshrl.u32 s1, $0x2  }
0xba: {  	s3 =	sand.u32 $0x4000, s31;
	s1 =	sadd.s32 s1, s30  }
0xbb: {  	s0 =	sor.u32 s3, s0;
	s1 =	sshll.u32 s1, $0x11  }
0xbc: {  	s0 =	sor.u32 s1, s0  }
0xbd: {  	s0 =	sadd.s32 $0x8F2B, s0  }
0xbe: {  	[sflag:s0] =	ssyncadd.remote.s32 $0x1  }
0xbf: {  	_ =	sfence.sel $0xFFFF  }
0xc0: {  	[dreg:$0x0] =	wrdreg $0xFFFFFFFF;
	(pc) =	sbr.abs _section_cstart, $3  }
0xc1: {  	[dreg:$0x1] =	wrdreg $0xFFFFFFFF  }
0xc2: {  	_ =	task.clear_ibuf [dreg:s6], $0x2FFFF;
	_ =	strace $0x9FFFFFFF  }
0xc3: {  	(tm) =	ssettm $0x7FFFFFFF  }
tec
execute0_lowered:
.L_overlay_start_1:
0x0: {  	(tag) =	ssettag $0x1  }
0x1: {  	s9 =	rddreg [dreg:$0x0]  }
0x2: {  	s1 =	rddreg [dreg:$0x1]  }
0x3: {  	s3 =	rddreg [dreg:$0x2];
	s0 =	stileid.u32  }
0x4: {  	s2 =	srdreg.scid;
	s4 =	simm.s32 $0x0;
	s20 =	simm.s32 $0x2740  }
0x5: {  	s21 =	simm.s32 $0x40;
	s22 =	simm.s32 $0x4E80;
	s11 =	smul.u32 $0x9C00, s0  }
0x6: {  	s16 =	sand.u32 $0x1, s2;
	s5 =	sshll.u32 s0, $0x1;
	s2 =	rddreg [dreg:$0x3]  }
0x7: {  	[smem:$0x7FF] =	sst s4;
	s14 =	sadd.s32 $0x2A000, s9;
	s10 =	smul.u32 $0x27000, s0  }
0x8: {  	s19 =	sadd.s32 $0x92400, s1;
	p1 =	seq.s32 s0, $0xF;
	s5 =	sor.u32 s16, s5  }
0x9: {  	_ =	strace $0x80000047;
	s31 =	ssub.s32 $0x2, s16;
	s13 =	smul.u32 $0x9C400, s16  }
0xa: {  	p0 =	seq.s32 s16, $0x1;
	p2 =	sne.s32 s16, $0x0;
	s16 =	simm.s32 $0x1FC1  }
0xb: {  	s6 =	sshrl.u32 s11, $0x3;
	s5 =	smul.u32 $0x4E8, s5;
	s8 =	sshrl.u32 s31, $0x1  }
0xc: {  	s10 =	sshrl.u32 s10, $0x2;
	s7 =	sadd.s32 s6, s9;
	s15 =	ssub.s32 s31, s8  }
0xd: {  	s6 =	sadd.s32 s11, s1;
	s8 =	sadd.s32 s11, s3;
	s23 =	sadd.s32 s10, s3  }
0xe: {  	s10 =	sadd.s32 $0x92400, s3;
	s17 =	sadd.s32 s11, s13;
	s18 =	sshrl.u32 s13, $0x3  }
0xf: {  	s12 =	sadd.s32 s5, s9;
	s5 =	sadd.s32 $0x28C00, s9;
	s7 =	sadd.s32 $0x1600, s7  }
0x10: {  	s9 =	sadd.s32 $0x13A80, s9;
	s17 =	sshrl.u32 s17, $0x3;
	s15 =	smax.u32 s15, $0x1  }
0x11: {  	s23 =	sshrl.u32 @p0 s23, $0x3;
	s11 =	sadd.s32 $0x1EE00, s12;
	s12 =	sadd.s32 $0x15000, s12  }
0x12: {  	s13 =	sadd.s32 s14, s17;
	s14 =	sadd.s32 s14, s18;
	s17 =	sshrl.u32 s19, $0x3  }
0x13: {  	s18 =	simm.s32 $0x1;
	s19 =	sshrl.u32 @!p2 s19, $0x3;
	s14 =	sadd.s32 $0x12480, s14  }
.LBB2_1:
.Ltmp0:
0x14: {  	(pc) =	sbr.rel @!p1 .LBB2_2-.Ltmp0, $1  }
0x15: {  	_ =	sdelay $0x3  }
0x16: {  	[spmem:s17], [sflag:s16] =	dma.local [hbm:s9], $0x1400  }
0x17: {  	_ =	swait.ge [sflag:s18], $0x1400  }
0x18: {  	[sflag:s18] =	ssyncset.done $0x0  }
0x19: {  	s24 =	sshrl.u32 @!p2 s10, $0x3;
	[sflag:s18] =	ssyncadd.s32 $0xFFFFEC00  }
0x1a: {  	[spmem:s24], [sflag:s16] =	dma.local @!p2 [spmem:s19], $0x1400  }
0x1b: {  	s24 =	simm.s32 @!p2 $0x1  }
0x1c: {  	_ =	swait.ge @!p2 [sflag:s24], $0x1400  }
0x1d: {  	[sflag:s24] =	ssyncset.done @!p2 $0x0  }
0x1e: {  	[sflag:s24] =	ssyncadd.s32 @!p2 $0xFFFFEC00;
	s24 =	sshrl.u32 @p0 s10, $0x3  }
0x1f: {  	[spmem:s24], [sflag:s16] =	dma.local @p0 [hbm:s5], $0x1400  }
.Ltmp1:
0x20: {  	_ = 	snop;
	(pc) =	sbr.rel .LBB2_4-.Ltmp1, $4  }
0x21: {  	s24 =	simm.s32 @p0 $0x1  }
0x22: {  	_ =	swait.ge @p0 [sflag:s24], $0x1400  }
0x23: {  	[sflag:s24] =	ssyncset.done @p0 $0x0  }
0x24: {  	[sflag:s24] =	ssyncadd.s32 @p0 $0xFFFFEC00  }
.LBB2_2:
0x25: {  	s24 =	sshll.u32 s0, $0x6  }
0x26: {  	s25 =	sshrl.u32 s6, $0x3;
	s24 =	sor.u32 $0x1C01, s24  }
0x27: {  	[spmem:s25], [sflag:s24] =	dma.local [hbm:s7], $0x1380  }
0x28: {  	_ =	swait.ge [sflag:s18], $0x1380  }
0x29: {  	[sflag:s18] =	ssyncset.done $0x0  }
0x2a: {  	s26 =	sshrl.u32 @!p2 s8, $0x3;
	s25 =	sshrl.u32 @!p2 s6, $0x3;
	[sflag:s18] =	ssyncadd.s32 $0xFFFFEC80  }
0x2b: {  	[spmem:s26], [sflag:s24] =	dma.local @!p2 [spmem:s25], $0x1380  }
0x2c: {  	s25 =	simm.s32 @!p2 $0x1  }
0x2d: {  	_ =	swait.ge @!p2 [sflag:s25], $0x1380  }
0x2e: {  	[sflag:s25] =	ssyncset.done @!p2 $0x0  }
0x2f: {  	[sflag:s25] =	ssyncadd.s32 @!p2 $0xFFFFEC80  }
0x30: {  	[spmem:s23], [sflag:s24] =	dma.local @p0 [hbm:s5], $0x1380  }
0x31: {  	s24 =	simm.s32 @p0 $0x1  }
0x32: {  	_ =	swait.ge @p0 [sflag:s24], $0x1380  }
0x33: {  	[sflag:s24] =	ssyncset.done @p0 $0x0  }
0x34: {  	[sflag:s24] =	ssyncadd.s32 @p0 $0xFFFFEC80  }
.LBB2_4:
0x35: {  	s24 =	simm.s32 $0x0  }
0x36: {  	[tilespmem:s24], [sflag:$0x1] =	stream.linear.gather [hbm4b:s11+s24], $0x2740, $0x38;
	[tilespmem:$0x19740] =	vst v63  }
0x37: {  	_ =	swait.ge [sflag:s18], $0x2740  }
0x38: {  	[sflag:s18] =	ssyncset.done $0x0  }
0x39: {  	[sflag:s18] =	ssyncadd.s32 $0xFFFFD8C0  }
0x3a: {  	[tilespmem:s20], [sflag:$0x1] =	stream.linear.gather [hbm4b:s12+s24], $0x2740, $0x38;
	[tilespmem:$0x19740] =	vst v63  }
0x3b: {  	_ =	swait.ge [sflag:s18], $0x2740  }
0x3c: {  	[sflag:s18] =	ssyncset.done $0x0  }
0x3d: {  	[sflag:s18] =	ssyncadd.s32 $0xFFFFD8C0  }
0x3e: {  	s30 =	simm.s32 $0x0;
	[bflag:$0x0] =	sbarrier.arrive $0xFFFF  }
0x3f: {  	[tilespmem:s22], [sflag:$0x1] =	stream.indirect.gather [spmem:s1], $0x40, s30, s21, $0xb8;
	[tilespmem:$0x19740] =	vst v63  }
0x40: {  	_ =	swait.ge [sflag:s18], $0x1000  }
0x41: {  	[sflag:s18] =	ssyncset.done $0x0  }
0x42: {  	s31 =	simm.s32 $0x2740;
	[sflag:s18] =	ssyncadd.s32 $0xFFFFF000  }
0x43: {  	[spmem:s3] =	stream.indirect.scatter.add.f32 [tilespmem:s22], [sflag:$0x1], $0x40, s31, s21, $0xb8;
	[tilespmem:$0x19740] =	vst v63  }
0x44: {  	_ =	swait.ge [sflag:s18], $0x1000  }
0x45: {  	s25 =	simm.s32 $0x200;
	s24 =	simm.s32 $0x100;
	[sflag:s18] =	ssyncset.done $0x0  }
.LBB2_5:
0x46: {  	s26 =	sshra.s32 s24, $0x2  }
0x47: {  	[sflag:s18] =	ssyncadd.s32 $0xFFFFF000;
	s24 =	smov.u32 s25;
	s28 =	sadd.s32 $0x100, s25  }
0x48: {  	[tilespmem:s22], [sflag:$0x1] =	stream.indirect.gather [spmem:s1], $0x40, s26, s21, $0xb8;
	[tilespmem:$0x19740] =	vst v63  }
0x49: {  	p3 =	sne.s32 s25, $0x9C00;
	_ =	swait.ge [sflag:s18], $0x1000  }
.Ltmp2:
0x4a: {  	[sflag:s18] =	ssyncset.done $0x0;
	(pc) =	sbr.rel @p3 .LBB2_5-.Ltmp2, $4  }
0x4b: {  	s25 =	sadd.s32 $0x2740, s26;
	[sflag:s18] =	ssyncadd.s32 $0xFFFFF000  }
0x4c: {  	[spmem:s3] =	stream.indirect.scatter.add.f32 [tilespmem:s22], [sflag:$0x1], $0x40, s25, s21, $0xb8;
	[tilespmem:$0x19740] =	vst v63  }
0x4d: {  	_ =	swait.ge [sflag:s18], $0x1000  }
0x4e: {  	s25 =	smov.u32 s28;
	[sflag:s18] =	ssyncset.done $0x0  }
0x4f: {  	s24 =	sshra.s32 s24, $0x2;
	[sflag:s18] =	ssyncadd.s32 $0xFFFFF000  }
0x50: {  	[tilespmem:s22], [sflag:$0x1] =	stream.indirect.gather [spmem:s1], $0x40, s24, s21, $0xb8;
	[tilespmem:$0x19740] =	vst v63  }
0x51: {  	_ =	swait.ge [sflag:s18], $0x1000  }
0x52: {  	[sflag:s18] =	ssyncset.done $0x0  }
0x53: {  	s24 =	sadd.s32 $0x2740, s24;
	[sflag:s18] =	ssyncadd.s32 $0xFFFFF000  }
0x54: {  	[spmem:s3] =	stream.indirect.scatter.add.f32 [tilespmem:s22], [sflag:$0x1], $0x40, s24, s21, $0xb8;
	[tilespmem:$0x19740] =	vst v63  }
0x55: {  	_ =	swait.ge [sflag:s18], $0x1000  }
0x56: {  	[sflag:s18] =	ssyncset.done $0x0  }
0x57: {  	[sflag:s18] =	ssyncadd.s32 $0xFFFFF000  }
0x58: {  	s25 =	simm.s32 @p1 $0x1FC1;
	s24 =	sshrl.u32 @p1 s10, $0x3;
	[bflag:$0x0] =	sbarrier.arrive $0xFFFF  }
0x59: {  	[hbm:s14], [sflag:s25] =	dma.local @p1 [spmem:s24], $0x1400  }
0x5a: {  	s24 =	simm.s32 @p1 $0x1  }
0x5b: {  	s4 =	sadd.s32 $0x1, s4;
	_ =	swait.ge @p1 [sflag:s24], $0x1400  }
0x5c: {  	p3 =	sne.s32 s4, s15;
	s25 =	sshll.u32 @!p1 s0, $0x6;
	[sflag:s24] =	ssyncset.done @p1 $0x0  }
0x5d: {  	[sflag:s24] =	ssyncadd.s32 @p1 $0xFFFFEC00;
	s24 =	sor.u32 @!p1 $0x1C01, s25;
	s25 =	sshrl.u32 @!p1 s8, $0x3  }
0x5e: {  	[hbm:s13], [sflag:s24] =	dma.local @!p1 [spmem:s25], $0x1380  }
.Ltmp3:
0x5f: {  	_ = 	snop;
	(pc) =	sbr.rel @p3 .LBB2_1-.Ltmp3, $4  }
0x60: {  	s24 =	simm.s32 @!p1 $0x1  }
0x61: {  	_ =	swait.ge @!p1 [sflag:s24], $0x1380  }
0x62: {  	[sflag:s24] =	ssyncset.done @!p1 $0x0  }
0x63: {  	[sflag:s24] =	ssyncadd.s32 @!p1 $0xFFFFEC80  }
0x64: {  	_ =	sfence.sel $0x180000  }
0x65: {  	[bflag:$0x0] =	sbarrier.arrive $0xFFFF  }
0x66: {  	p0 =	sne.s32 s0, $0x0;
	_ =	strace $0x90000047  }
0x67: {  	s0 =	sadd.s32 @!p0 $0x100000, s2;
	[bflag:$0x2] =	sbarrier.arrive $0xFFFF  }
0x68: {  	[sflag:s0] =	ssyncadd.tile.s32 @!p0 $0x1;
	_ =	shalt  }
.Lfunc_end2:
_tile_overlayer_lowered:
.L_overlay_start_2:
0x69: {  	(tag) =	ssettag $0x2  }
0x6a: {  	s0 =	rddreg [dreg:$0x0];
	s2 =	stileid.u32  }
0x6b: {  	s1 =	rddreg [dreg:$0x1];
	p0 =	sne.s32 s2, $0x0  }
0x6c: {  	s3 =	rddreg [dreg:$0x2];
	[bflag:$0x3] =	sbarrier.arrive $0xFFFF;
	s2 =	simm.s32 @!p0 $0x1C01  }
0x6d: {  	[timem:s3], [sflag:s2] =	dma.local @!p0 [hbm:s0], s1  }
0x6e: {  	s0 =	simm.s32 @!p0 $0x1  }
0x6f: {  	_ =	swait.ge @!p0 [sflag:s0], s1  }
0x70: {  	s1 =	ssub.s32 @!p0 $0x0, s1;
	[sflag:s0] =	ssyncset.done @!p0 $0x0  }
0x71: {  	[sflag:s0] =	ssyncadd.s32 @!p0 s1  }
0x72: {  	[bflag:$0x3] =	sbarrier.arrive $0xFFFF  }
0x73: {  	_ =	shalt  }

</sc_bundles>
